<compile_context>
chip_gen: v7x
topology: tpu7x:2x2x1
jax: 0.10.2.dev20260603
libtpu: 0.0.44.dev20260713+nightly
codegen_flags: <defaults>
</compile_context>

<pallas_src>
import functools

import jax
import jax.numpy as jnp
from jax import lax
from jax.experimental import pallas as pl
from jax.experimental.pallas import tpu as pltpu
from jax.experimental.pallas import tpu_sc as plsc

_LANES = 16
_CHUNK = 4000
_WIN = _CHUNK + 224


@functools.lru_cache(maxsize=None)
def _build(n_nodes, n_edges):
    info = plsc.get_sparse_core_info()
    nc, ns = info.num_cores, info.num_subcores
    nw = nc * ns
    epw = n_edges // nw
    assert n_edges % nw == 0
    assert epw % (2 * _CHUNK) == 0
    nch = epw // _CHUNK
    nvec = _CHUNK // _LANES
    mesh = plsc.VectorSubcoreMesh(core_axis_name="c", subcore_axis_name="s")

    @functools.partial(
        pl.kernel,
        out_type=(
            jax.ShapeDtypeStruct((n_edges,), jnp.int32),
            jax.ShapeDtypeStruct((n_edges,), jnp.int32),
        ),
        mesh=mesh,
        compiler_params=pltpu.CompilerParams(needs_layout_passes=False),
        scratch_types=[
            pltpu.VMEM((n_nodes,), jnp.int32),
            pltpu.VMEM((2, _WIN), jnp.int32),
            pltpu.VMEM((2, _WIN), jnp.int32),
            pltpu.VMEM((_CHUNK,), jnp.int32),
            pltpu.VMEM((_CHUNK,), jnp.int32),
            pltpu.SemaphoreType.DMA,
            pltpu.SemaphoreType.DMA,
            pltpu.SemaphoreType.DMA,
            pltpu.SemaphoreType.DMA,
        ],
    )
    def kern(scores_hbm, oid_hbm, ei_hbm, sout_hbm, eqout_hbm,
             table_v, idx0_v, idx1_v, out0_v, out1_v,
             sa0, sa1, so0, so1):
        wid = lax.axis_index("s") * nc + lax.axis_index("c")
        base = wid * epw
        idx = (idx0_v, idx1_v)
        out = (out0_v, out1_v)
        sa = (sa0, sa1)
        so = (so0, so1)

        def win_start(g):
            cb = base + g * _CHUNK
            s = jnp.minimum(cb - lax.rem(cb, 128), n_edges - _WIN)
            return pl.multiple_of(s, 128)

        def fire_in(g, slot):
            pltpu.async_copy(ei_hbm.at[:, pl.ds(win_start(g), _WIN)],
                             idx[slot], sa[slot])

        def wait_in(g, slot):
            pltpu.make_async_copy(ei_hbm.at[:, pl.ds(win_start(g), _WIN)],
                                  idx[slot], sa[slot]).wait()

        def ring(out_hbm, step):

            def wait_out(g, slot):
                cb = base + g * _CHUNK
                pltpu.make_async_copy(out[slot],
                                      out_hbm.at[pl.ds(cb, _CHUNK)],
                                      so[slot]).wait()

            fire_in(0, 0)

            def body(i, carry):
                for b in range(2):
                    g = 2 * i + b
                    if b == 0:
                        fire_in(g + 1, 1)
                    else:
                        @pl.when(i < nch // 2 - 1)
                        def _():
                            fire_in(g + 1, 0)
                    wait_in(g, b)

                    @pl.when(i >= 1)
                    def _():
                        wait_out(g - 2, b)

                    step(g, b)
                    cb = base + g * _CHUNK
                    pltpu.async_copy(out[b], out_hbm.at[pl.ds(cb, _CHUNK)],
                                     so[b])
                return carry

            lax.fori_loop(0, nch // 2, body, 0)
            wait_out(nch - 2, 0)
            wait_out(nch - 1, 1)

        pltpu.sync_copy(scores_hbm, table_v)

        def step1(g, b):
            off = base + g * _CHUNK - win_start(g)

            @plsc.parallel_loop(0, nvec, unroll=8)
            def _(j):
                s = idx[b][0, pl.ds(off + j * _LANES, _LANES)]
                out[b][pl.ds(j * _LANES, _LANES)] = plsc.load_gather(
                    table_v, [s])

        ring(sout_hbm, step1)

        pltpu.sync_copy(oid_hbm, table_v)

        def step2(g, b):
            off = base + g * _CHUNK - win_start(g)

            @plsc.parallel_loop(0, nvec, unroll=8)
            def _(j):
                s = idx[b][0, pl.ds(off + j * _LANES, _LANES)]
                t = idx[b][1, pl.ds(off + j * _LANES, _LANES)]
                a = plsc.load_gather(table_v, [s])
                c = plsc.load_gather(table_v, [t])
                out[b][pl.ds(j * _LANES, _LANES)] = a ^ c

        ring(eqout_hbm, step2)

    return kern


def kernel(scores, object_id, edge_index):
    n_nodes = scores.shape[0]
    n_edges = edge_index.shape[1]
    scores_i = lax.bitcast_convert_type(scores.reshape(-1), jnp.int32)
    sout, eqout = _build(n_nodes, n_edges)(scores_i, object_id, edge_index)
    return (lax.bitcast_convert_type(sout, jnp.float32), eqout == 0)

# --- scband reference (transcript-rebuilt; emitter-appended) ---
"""Pipeline reference for scband-send-scores-message-14001593385541 (READ-ONLY COPY).

The authoritative reference and input builder live on the scoring server;
editing this copy changes nothing except your own understanding.
"""

import jax, jax.numpy as jnp
import numpy as np

N_NODES = 100000
N_EDGES = 6400000

def setup_inputs(seed: int = 0) -> dict:
    key = jax.random.key(seed)
    k1, k2, k3 = jax.random.split(key, 3)
    scores = jax.random.normal(k1, (N_NODES, 1), dtype=jnp.float32)
    object_id = jax.random.randint(k2, (N_NODES,), 0, 1000, dtype=jnp.int64 if jax.config.jax_enable_x64 else jnp.int32).astype(jnp.int32)
    edge_index = jax.random.randint(k3, (2, N_EDGES), 0, N_NODES, dtype=jnp.int32)
    return {"scores": scores, "object_id": object_id, "edge_index": edge_index}

def reference(scores, object_id, edge_index):
    # DGL message function semantics:
    #   edges.src['scores'] -> gather scores at source nodes
    #   edges.dst['object'] == edges.src['object'] -> per-edge equality of node labels
    src = edge_index[0]
    dst = edge_index[1]
    score_neigh = jnp.take(scores, src, axis=0).reshape(-1)
    same_object = jnp.take(object_id, dst, axis=0) == jnp.take(object_id, src, axis=0)
    return (score_neigh, same_object)

if __name__ == "__main__":
    import jax
    _d = setup_inputs()
    print(jax.jit(kernel)(*tuple(_d.values())))

</pallas_src>

<mosaic_0001>
#map = affine_map<(d0, d1) -> (0)>
#map1 = affine_map<(d0, d1) -> (0, 0)>
module attributes {stable_mosaic.version = 14 : i64} {
  func.func @kern(%arg0: i32, %arg1: i32, %arg2: memref<100000xi32, #tpu.memory_space<hbm>>, %arg3: memref<100000xi32, #tpu.memory_space<hbm>>, %arg4: memref<2x6400000xi32, #tpu.memory_space<hbm>>, %arg5: memref<6400000xi32, #tpu.memory_space<hbm>>, %arg6: memref<6400000xi32, #tpu.memory_space<hbm>>, %arg7: memref<100000xi32, #tpu.memory_space<vmem>>, %arg8: memref<2x4224xi32, #tpu.memory_space<vmem>>, %arg9: memref<2x4224xi32, #tpu.memory_space<vmem>>, %arg10: memref<4000xi32, #tpu.memory_space<vmem>>, %arg11: memref<4000xi32, #tpu.memory_space<vmem>>, %arg12: memref<!tpu.dma_semaphore, #tpu.memory_space<semaphore_mem>>, %arg13: memref<!tpu.dma_semaphore, #tpu.memory_space<semaphore_mem>>, %arg14: memref<!tpu.dma_semaphore, #tpu.memory_space<semaphore_mem>>, %arg15: memref<!tpu.dma_semaphore, #tpu.memory_space<semaphore_mem>>) attributes {dimension_semantics = [#tpu.dimension_semantics<core_parallel>, #tpu.dimension_semantics<subcore_parallel>], iteration_bounds = array<i64: 2, 16>, scalar_prefetch = 0 : i64, scratch_operands = 9 : i64, tpu.core_type = #tpu.core_type<sc_vector_subcore>, window_params = [{transform_indices = #map}, {transform_indices = #map}, {transform_indices = #map1}, {transform_indices = #map}, {transform_indices = #map}]} {
    %mul3A = arith.constant 2 : i32
    %mul3A_0 = arith.muli %arg1, %mul3A : i32
    %add3A = arith.addi %mul3A_0, %arg0 : i32
    %mul3A_1 = arith.constant 200000 : i32
    %mul3A_2 = arith.muli %add3A, %mul3A_1 : i32
    "tpu.region"() ({
      %run_scoped3A = tpu.sem_alloc : memref<!tpu.dma_semaphore, #tpu.memory_space<semaphore_mem>>
      tpu.enqueue_dma source(%arg2 : memref<100000xi32, #tpu.memory_space<hbm>>) target(%arg7 : memref<100000xi32, #tpu.memory_space<vmem>>) target_semaphore(%run_scoped3A : memref<!tpu.dma_semaphore, #tpu.memory_space<semaphore_mem>>)
      tpu.wait_dma2 semaphore(%run_scoped3A : memref<!tpu.dma_semaphore, #tpu.memory_space<semaphore_mem>>) src(%arg2 : memref<100000xi32, #tpu.memory_space<hbm>>) dst(%arg7 : memref<100000xi32, #tpu.memory_space<vmem>>)
      tpu.yield
    }) : () -> ()
    %add3A_3 = arith.constant 0 : i32
    %add3A_4 = arith.addi %mul3A_2, %add3A_3 : i32
    %rem3A = arith.constant 128 : i32
    %rem3A_5 = arith.remsi %add3A_4, %rem3A : i32
    %sub3A = arith.subi %add3A_4, %rem3A_5 : i32
    %min3A = arith.constant 6395776 : i32
    %min3A_6 = arith.minsi %sub3A, %min3A : i32
    %multiple_of3A = tpu.assume_multiple %min3A_6, 128 : i32
    %dma_start3A = arith.constant 0 : i32
    %dma_start3A_7 = tpu.memref_slice %arg4[%dma_start3A, %multiple_of3A] : memref<2x6400000xi32, #tpu.memory_space<hbm>> -> memref<2x4224xi32, #tpu.memory_space<hbm>>
    %dma_start3A_8 = arith.constant 0 : i32
    %dma_start3A_9 = tpu.memref_slice %arg4[%dma_start3A_8, %multiple_of3A] : memref<2x6400000xi32, #tpu.memory_space<hbm>> -> memref<2x4224xi32, #tpu.memory_space<hbm>>
    tpu.enqueue_dma source(%dma_start3A_9 : memref<2x4224xi32, #tpu.memory_space<hbm>>) target(%arg8 : memref<2x4224xi32, #tpu.memory_space<vmem>>) target_semaphore(%arg12 : memref<!tpu.dma_semaphore, #tpu.memory_space<semaphore_mem>>)
    %scan3A = arith.constant 0 : i32
    %scan3A_10 = arith.constant 0 : i32
    %scan3A_11 = arith.constant 25 : i32
    %scan3A_12 = arith.addi %scan3A_10, %scan3A_11 : i32
    %scan3A_13 = arith.constant 1 : i32
    scf.for %scan3A_48 = %scan3A_10 to %scan3A_12 step %scan3A_13  : i32 {
      %mul3A_49 = arith.constant 2 : i32
      %mul3A_50 = arith.muli %mul3A_49, %scan3A_48 : i32
      %add3A_51 = arith.constant 0 : i32
      %add3A_52 = arith.addi %mul3A_50, %add3A_51 : i32
      %add3A_53 = arith.constant 1 : i32
      %add3A_54 = arith.addi %add3A_52, %add3A_53 : i32
      %mul3A_55 = arith.constant 4000 : i32
      %mul3A_56 = arith.muli %add3A_54, %mul3A_55 : i32
      %add3A_57 = arith.addi %mul3A_2, %mul3A_56 : i32
      %rem3A_58 = arith.constant 128 : i32
      %rem3A_59 = arith.remsi %add3A_57, %rem3A_58 : i32
      %sub3A_60 = arith.subi %add3A_57, %rem3A_59 : i32
      %min3A_61 = arith.constant 6395776 : i32
      %min3A_62 = arith.minsi %sub3A_60, %min3A_61 : i32
      %multiple_of3A_63 = tpu.assume_multiple %min3A_62, 128 : i32
      %dma_start3A_64 = arith.constant 0 : i32
      %dma_start3A_65 = tpu.memref_slice %arg4[%dma_start3A_64, %multiple_of3A_63] : memref<2x6400000xi32, #tpu.memory_space<hbm>> -> memref<2x4224xi32, #tpu.memory_space<hbm>>
      %dma_start3A_66 = arith.constant 0 : i32
      %dma_start3A_67 = tpu.memref_slice %arg4[%dma_start3A_66, %multiple_of3A_63] : memref<2x6400000xi32, #tpu.memory_space<hbm>> -> memref<2x4224xi32, #tpu.memory_space<hbm>>
      tpu.enqueue_dma source(%dma_start3A_67 : memref<2x4224xi32, #tpu.memory_space<hbm>>) target(%arg9 : memref<2x4224xi32, #tpu.memory_space<vmem>>) target_semaphore(%arg13 : memref<!tpu.dma_semaphore, #tpu.memory_space<semaphore_mem>>)
      %mul3A_68 = arith.constant 4000 : i32
      %mul3A_69 = arith.muli %add3A_52, %mul3A_68 : i32
      %add3A_70 = arith.addi %mul3A_2, %mul3A_69 : i32
      %rem3A_71 = arith.constant 128 : i32
      %rem3A_72 = arith.remsi %add3A_70, %rem3A_71 : i32
      %sub3A_73 = arith.subi %add3A_70, %rem3A_72 : i32
      %min3A_74 = arith.constant 6395776 : i32
      %min3A_75 = arith.minsi %sub3A_73, %min3A_74 : i32
      %multiple_of3A_76 = tpu.assume_multiple %min3A_75, 128 : i32
      %dma_wait3A_77 = arith.constant 0 : i32
      %dma_wait3A_78 = tpu.memref_slice %arg4[%dma_wait3A_77, %multiple_of3A_76] : memref<2x6400000xi32, #tpu.memory_space<hbm>> -> memref<2x4224xi32, #tpu.memory_space<hbm>>
      %dma_wait3A_79 = arith.constant 0 : i32
      %dma_wait3A_80 = tpu.memref_slice %arg4[%dma_wait3A_79, %multiple_of3A_76] : memref<2x6400000xi32, #tpu.memory_space<hbm>> -> memref<2x4224xi32, #tpu.memory_space<hbm>>
      tpu.wait_dma2 semaphore(%arg12 : memref<!tpu.dma_semaphore, #tpu.memory_space<semaphore_mem>>) src(%dma_wait3A_80 : memref<2x4224xi32, #tpu.memory_space<hbm>>) dst(%arg8 : memref<2x4224xi32, #tpu.memory_space<vmem>>)
      %ge3A = arith.constant 1 : i32
      %ge3A_81 = arith.cmpi sge, %scan3A_48, %ge3A : i32
      %convert_element_type3A = arith.extui %ge3A_81 : i1 to i32
      %cond3A = arith.constant 0 : i32
      %cond3A_82 = arith.cmpi ne, %convert_element_type3A, %cond3A : i32
      scf.if %cond3A_82 {
        %sub3A_150 = arith.constant 2 : i32
        %sub3A_151 = arith.subi %add3A_52, %sub3A_150 : i32
        %mul3A_152 = arith.constant 4000 : i32
        %mul3A_153 = arith.muli %sub3A_151, %mul3A_152 : i32
        %add3A_154 = arith.addi %mul3A_2, %mul3A_153 : i32
        %dma_wait3A_155 = tpu.memref_slice %arg5[%add3A_154] : memref<6400000xi32, #tpu.memory_space<hbm>> -> memref<4000xi32, #tpu.memory_space<hbm>>
        %dma_wait3A_156 = tpu.memref_slice %arg5[%add3A_154] : memref<6400000xi32, #tpu.memory_space<hbm>> -> memref<4000xi32, #tpu.memory_space<hbm>>
        tpu.wait_dma2 semaphore(%arg14 : memref<!tpu.dma_semaphore, #tpu.memory_space<semaphore_mem>>) src(%arg10 : memref<4000xi32, #tpu.memory_space<vmem>>) dst(%dma_wait3A_156 : memref<4000xi32, #tpu.memory_space<hbm>>)
      } else {
      }
      %mul3A_83 = arith.constant 4000 : i32
      %mul3A_84 = arith.muli %add3A_52, %mul3A_83 : i32
      %add3A_85 = arith.addi %mul3A_2, %mul3A_84 : i32
      %mul3A_86 = arith.constant 4000 : i32
      %mul3A_87 = arith.muli %add3A_52, %mul3A_86 : i32
      %add3A_88 = arith.addi %mul3A_2, %mul3A_87 : i32
      %rem3A_89 = arith.constant 128 : i32
      %rem3A_90 = arith.remsi %add3A_88, %rem3A_89 : i32
      %sub3A_91 = arith.subi %add3A_88, %rem3A_90 : i32
      %min3A_92 = arith.constant 6395776 : i32
      %min3A_93 = arith.minsi %sub3A_91, %min3A_92 : i32
      %multiple_of3A_94 = tpu.assume_multiple %min3A_93, 128 : i32
      %sub3A_95 = arith.subi %add3A_85, %multiple_of3A_94 : i32
      %parallel_loop3A = arith.constant 0 : i32
      %parallel_loop3A_96 = arith.constant 250 : i32
      %parallel_loop3A_97 = arith.constant 1 : i32
      scf.for %parallel_loop3A_150 = %parallel_loop3A to %parallel_loop3A_96 step %parallel_loop3A_97  : i32 {
        %parallel_loop3A_151 = arith.constant 16 : i32
        %parallel_loop3A_152 = arith.muli %parallel_loop3A_150, %parallel_loop3A_151 : i32
        %parallel_loop3A_153 = arith.addi %sub3A_95, %parallel_loop3A_152 : i32
        %parallel_loop3A_154 = arith.constant 0 : i32
        %parallel_loop3A_155 = arith.index_cast %parallel_loop3A_154 : i32 to index
        %parallel_loop3A_156 = arith.index_cast %parallel_loop3A_153 : i32 to index
        %parallel_loop3A_157 = tpu.vector_load %arg8[%parallel_loop3A_155, %parallel_loop3A_156] {strides = array<i32>} : memref<2x4224xi32, #tpu.memory_space<vmem>>, vector<16xi32>,
        %parallel_loop3A_158 = tpu.vector_load_idx %arg7[%parallel_loop3A_157] : memref<100000xi32, #tpu.memory_space<vmem>>[vector<16xi32>], vector<16xi32>,
        %parallel_loop3A_159 = arith.constant 16 : i32
        %parallel_loop3A_160 = arith.muli %parallel_loop3A_150, %parallel_loop3A_159 : i32
        %parallel_loop3A_161 = arith.index_cast %parallel_loop3A_160 : i32 to index
        %parallel_loop3A_162 = tpu.vector_load %arg10[%parallel_loop3A_161] {strides = array<i32>} : memref<4000xi32, #tpu.memory_space<vmem>>, vector<16xi32>,
        tpu.vector_store %arg10[%parallel_loop3A_161], %parallel_loop3A_158 {strides = array<i32>} : memref<4000xi32, #tpu.memory_space<vmem>>, vector<16xi32>,
      } {sc.loop_unroll_factor = 8 : i64, sc.parallel_access}
      %mul3A_98 = arith.constant 4000 : i32
      %mul3A_99 = arith.muli %add3A_52, %mul3A_98 : i32
      %add3A_100 = arith.addi %mul3A_2, %mul3A_99 : i32
      %dma_start3A_101 = tpu.memref_slice %arg5[%add3A_100] : memref<6400000xi32, #tpu.memory_space<hbm>> -> memref<4000xi32, #tpu.memory_space<hbm>>
      %dma_start3A_102 = tpu.memref_slice %arg5[%add3A_100] : memref<6400000xi32, #tpu.memory_space<hbm>> -> memref<4000xi32, #tpu.memory_space<hbm>>
      tpu.enqueue_dma source(%arg10 : memref<4000xi32, #tpu.memory_space<vmem>>) target(%dma_start3A_102 : memref<4000xi32, #tpu.memory_space<hbm>>) target_semaphore(%arg14 : memref<!tpu.dma_semaphore, #tpu.memory_space<semaphore_mem>>)
      %mul3A_103 = arith.constant 2 : i32
      %mul3A_104 = arith.muli %mul3A_103, %scan3A_48 : i32
      %add3A_105 = arith.constant 1 : i32
      %add3A_106 = arith.addi %mul3A_104, %add3A_105 : i32
      %lt3A = arith.constant 24 : i32
      %lt3A_107 = arith.cmpi slt, %scan3A_48, %lt3A : i32
      %convert_element_type3A_108 = arith.extui %lt3A_107 : i1 to i32
      %cond3A_109 = arith.constant 0 : i32
      %cond3A_110 = arith.cmpi ne, %convert_element_type3A_108, %cond3A_109 : i32
      scf.if %cond3A_110 {
        %add3A_150 = arith.constant 1 : i32
        %add3A_151 = arith.addi %add3A_106, %add3A_150 : i32
        %mul3A_152 = arith.constant 4000 : i32
        %mul3A_153 = arith.muli %add3A_151, %mul3A_152 : i32
        %add3A_154 = arith.addi %mul3A_2, %mul3A_153 : i32
        %rem3A_155 = arith.constant 128 : i32
        %rem3A_156 = arith.remsi %add3A_154, %rem3A_155 : i32
        %sub3A_157 = arith.subi %add3A_154, %rem3A_156 : i32
        %min3A_158 = arith.constant 6395776 : i32
        %min3A_159 = arith.minsi %sub3A_157, %min3A_158 : i32
        %multiple_of3A_160 = tpu.assume_multiple %min3A_159, 128 : i32
        %dma_start3A_161 = arith.constant 0 : i32
        %dma_start3A_162 = tpu.memref_slice %arg4[%dma_start3A_161, %multiple_of3A_160] : memref<2x6400000xi32, #tpu.memory_space<hbm>> -> memref<2x4224xi32, #tpu.memory_space<hbm>>
        %dma_start3A_163 = arith.constant 0 : i32
        %dma_start3A_164 = tpu.memref_slice %arg4[%dma_start3A_163, %multiple_of3A_160] : memref<2x6400000xi32, #tpu.memory_space<hbm>> -> memref<2x4224xi32, #tpu.memory_space<hbm>>
        tpu.enqueue_dma source(%dma_start3A_164 : memref<2x4224xi32, #tpu.memory_space<hbm>>) target(%arg8 : memref<2x4224xi32, #tpu.memory_space<vmem>>) target_semaphore(%arg12 : memref<!tpu.dma_semaphore, #tpu.memory_space<semaphore_mem>>)
      } else {
      }
      %mul3A_111 = arith.constant 4000 : i32
      %mul3A_112 = arith.muli %add3A_106, %mul3A_111 : i32
      %add3A_113 = arith.addi %mul3A_2, %mul3A_112 : i32
      %rem3A_114 = arith.constant 128 : i32
      %rem3A_115 = arith.remsi %add3A_113, %rem3A_114 : i32
      %sub3A_116 = arith.subi %add3A_113, %rem3A_115 : i32
      %min3A_117 = arith.constant 6395776 : i32
      %min3A_118 = arith.minsi %sub3A_116, %min3A_117 : i32
      %multiple_of3A_119 = tpu.assume_multiple %min3A_118, 128 : i32
      %dma_wait3A_120 = arith.constant 0 : i32
      %dma_wait3A_121 = tpu.memref_slice %arg4[%dma_wait3A_120, %multiple_of3A_119] : memref<2x6400000xi32, #tpu.memory_space<hbm>> -> memref<2x4224xi32, #tpu.memory_space<hbm>>
      %dma_wait3A_122 = arith.constant 0 : i32
      %dma_wait3A_123 = tpu.memref_slice %arg4[%dma_wait3A_122, %multiple_of3A_119] : memref<2x6400000xi32, #tpu.memory_space<hbm>> -> memref<2x4224xi32, #tpu.memory_space<hbm>>
      tpu.wait_dma2 semaphore(%arg13 : memref<!tpu.dma_semaphore, #tpu.memory_space<semaphore_mem>>) src(%dma_wait3A_123 : memref<2x4224xi32, #tpu.memory_space<hbm>>) dst(%arg9 : memref<2x4224xi32, #tpu.memory_space<vmem>>)
      %ge3A_124 = arith.constant 1 : i32
      %ge3A_125 = arith.cmpi sge, %scan3A_48, %ge3A_124 : i32
      %convert_element_type3A_126 = arith.extui %ge3A_125 : i1 to i32
      %cond3A_127 = arith.constant 0 : i32
      %cond3A_128 = arith.cmpi ne, %convert_element_type3A_126, %cond3A_127 : i32
      scf.if %cond3A_128 {
        %sub3A_150 = arith.constant 2 : i32
        %sub3A_151 = arith.subi %add3A_106, %sub3A_150 : i32
        %mul3A_152 = arith.constant 4000 : i32
        %mul3A_153 = arith.muli %sub3A_151, %mul3A_152 : i32
        %add3A_154 = arith.addi %mul3A_2, %mul3A_153 : i32
        %dma_wait3A_155 = tpu.memref_slice %arg5[%add3A_154] : memref<6400000xi32, #tpu.memory_space<hbm>> -> memref<4000xi32, #tpu.memory_space<hbm>>
        %dma_wait3A_156 = tpu.memref_slice %arg5[%add3A_154] : memref<6400000xi32, #tpu.memory_space<hbm>> -> memref<4000xi32, #tpu.memory_space<hbm>>
        tpu.wait_dma2 semaphore(%arg15 : memref<!tpu.dma_semaphore, #tpu.memory_space<semaphore_mem>>) src(%arg11 : memref<4000xi32, #tpu.memory_space<vmem>>) dst(%dma_wait3A_156 : memref<4000xi32, #tpu.memory_space<hbm>>)
      } else {
      }
      %mul3A_129 = arith.constant 4000 : i32
      %mul3A_130 = arith.muli %add3A_106, %mul3A_129 : i32
      %add3A_131 = arith.addi %mul3A_2, %mul3A_130 : i32
      %mul3A_132 = arith.constant 4000 : i32
      %mul3A_133 = arith.muli %add3A_106, %mul3A_132 : i32
      %add3A_134 = arith.addi %mul3A_2, %mul3A_133 : i32
      %rem3A_135 = arith.constant 128 : i32
      %rem3A_136 = arith.remsi %add3A_134, %rem3A_135 : i32
      %sub3A_137 = arith.subi %add3A_134, %rem3A_136 : i32
      %min3A_138 = arith.constant 6395776 : i32
      %min3A_139 = arith.minsi %sub3A_137, %min3A_138 : i32
      %multiple_of3A_140 = tpu.assume_multiple %min3A_139, 128 : i32
      %sub3A_141 = arith.subi %add3A_131, %multiple_of3A_140 : i32
      %parallel_loop3A_142 = arith.constant 0 : i32
      %parallel_loop3A_143 = arith.constant 250 : i32
      %parallel_loop3A_144 = arith.constant 1 : i32
      scf.for %parallel_loop3A_150 = %parallel_loop3A_142 to %parallel_loop3A_143 step %parallel_loop3A_144  : i32 {
        %parallel_loop3A_151 = arith.constant 16 : i32
        %parallel_loop3A_152 = arith.muli %parallel_loop3A_150, %parallel_loop3A_151 : i32
        %parallel_loop3A_153 = arith.addi %sub3A_141, %parallel_loop3A_152 : i32
        %parallel_loop3A_154 = arith.constant 0 : i32
        %parallel_loop3A_155 = arith.index_cast %parallel_loop3A_154 : i32 to index
        %parallel_loop3A_156 = arith.index_cast %parallel_loop3A_153 : i32 to index
        %parallel_loop3A_157 = tpu.vector_load %arg9[%parallel_loop3A_155, %parallel_loop3A_156] {strides = array<i32>} : memref<2x4224xi32, #tpu.memory_space<vmem>>, vector<16xi32>,
        %parallel_loop3A_158 = tpu.vector_load_idx %arg7[%parallel_loop3A_157] : memref<100000xi32, #tpu.memory_space<vmem>>[vector<16xi32>], vector<16xi32>,
        %parallel_loop3A_159 = arith.constant 16 : i32
        %parallel_loop3A_160 = arith.muli %parallel_loop3A_150, %parallel_loop3A_159 : i32
        %parallel_loop3A_161 = arith.index_cast %parallel_loop3A_160 : i32 to index
        %parallel_loop3A_162 = tpu.vector_load %arg11[%parallel_loop3A_161] {strides = array<i32>} : memref<4000xi32, #tpu.memory_space<vmem>>, vector<16xi32>,
        tpu.vector_store %arg11[%parallel_loop3A_161], %parallel_loop3A_158 {strides = array<i32>} : memref<4000xi32, #tpu.memory_space<vmem>>, vector<16xi32>,
      } {sc.loop_unroll_factor = 8 : i64, sc.parallel_access}
      %mul3A_145 = arith.constant 4000 : i32
      %mul3A_146 = arith.muli %add3A_106, %mul3A_145 : i32
      %add3A_147 = arith.addi %mul3A_2, %mul3A_146 : i32
      %dma_start3A_148 = tpu.memref_slice %arg5[%add3A_147] : memref<6400000xi32, #tpu.memory_space<hbm>> -> memref<4000xi32, #tpu.memory_space<hbm>>
      %dma_start3A_149 = tpu.memref_slice %arg5[%add3A_147] : memref<6400000xi32, #tpu.memory_space<hbm>> -> memref<4000xi32, #tpu.memory_space<hbm>>
      tpu.enqueue_dma source(%arg11 : memref<4000xi32, #tpu.memory_space<vmem>>) target(%dma_start3A_149 : memref<4000xi32, #tpu.memory_space<hbm>>) target_semaphore(%arg15 : memref<!tpu.dma_semaphore, #tpu.memory_space<semaphore_mem>>)
    }
    %scan3A_14 = arith.constant 25 : i32
    %add3A_15 = arith.constant 192000 : i32
    %add3A_16 = arith.addi %mul3A_2, %add3A_15 : i32
    %dma_wait3A = tpu.memref_slice %arg5[%add3A_16] : memref<6400000xi32, #tpu.memory_space<hbm>> -> memref<4000xi32, #tpu.memory_space<hbm>>
    %dma_wait3A_17 = tpu.memref_slice %arg5[%add3A_16] : memref<6400000xi32, #tpu.memory_space<hbm>> -> memref<4000xi32, #tpu.memory_space<hbm>>
    tpu.wait_dma2 semaphore(%arg14 : memref<!tpu.dma_semaphore, #tpu.memory_space<semaphore_mem>>) src(%arg10 : memref<4000xi32, #tpu.memory_space<vmem>>) dst(%dma_wait3A_17 : memref<4000xi32, #tpu.memory_space<hbm>>)
    %add3A_18 = arith.constant 196000 : i32
    %add3A_19 = arith.addi %mul3A_2, %add3A_18 : i32
    %dma_wait3A_20 = tpu.memref_slice %arg5[%add3A_19] : memref<6400000xi32, #tpu.memory_space<hbm>> -> memref<4000xi32, #tpu.memory_space<hbm>>
    %dma_wait3A_21 = tpu.memref_slice %arg5[%add3A_19] : memref<6400000xi32, #tpu.memory_space<hbm>> -> memref<4000xi32, #tpu.memory_space<hbm>>
    tpu.wait_dma2 semaphore(%arg15 : memref<!tpu.dma_semaphore, #tpu.memory_space<semaphore_mem>>) src(%arg11 : memref<4000xi32, #tpu.memory_space<vmem>>) dst(%dma_wait3A_21 : memref<4000xi32, #tpu.memory_space<hbm>>)
    "tpu.region"() ({
      %run_scoped3A = tpu.sem_alloc : memref<!tpu.dma_semaphore, #tpu.memory_space<semaphore_mem>>
      tpu.enqueue_dma source(%arg3 : memref<100000xi32, #tpu.memory_space<hbm>>) target(%arg7 : memref<100000xi32, #tpu.memory_space<vmem>>) target_semaphore(%run_scoped3A : memref<!tpu.dma_semaphore, #tpu.memory_space<semaphore_mem>>)
      tpu.wait_dma2 semaphore(%run_scoped3A : memref<!tpu.dma_semaphore, #tpu.memory_space<semaphore_mem>>) src(%arg3 : memref<100000xi32, #tpu.memory_space<hbm>>) dst(%arg7 : memref<100000xi32, #tpu.memory_space<vmem>>)
      tpu.yield
    }) : () -> ()
    %add3A_22 = arith.constant 0 : i32
    %add3A_23 = arith.addi %mul3A_2, %add3A_22 : i32
    %rem3A_24 = arith.constant 128 : i32
    %rem3A_25 = arith.remsi %add3A_23, %rem3A_24 : i32
    %sub3A_26 = arith.subi %add3A_23, %rem3A_25 : i32
    %min3A_27 = arith.constant 6395776 : i32
    %min3A_28 = arith.minsi %sub3A_26, %min3A_27 : i32
    %multiple_of3A_29 = tpu.assume_multiple %min3A_28, 128 : i32
    %dma_start3A_30 = arith.constant 0 : i32
    %dma_start3A_31 = tpu.memref_slice %arg4[%dma_start3A_30, %multiple_of3A_29] : memref<2x6400000xi32, #tpu.memory_space<hbm>> -> memref<2x4224xi32, #tpu.memory_space<hbm>>
    %dma_start3A_32 = arith.constant 0 : i32
    %dma_start3A_33 = tpu.memref_slice %arg4[%dma_start3A_32, %multiple_of3A_29] : memref<2x6400000xi32, #tpu.memory_space<hbm>> -> memref<2x4224xi32, #tpu.memory_space<hbm>>
    tpu.enqueue_dma source(%dma_start3A_33 : memref<2x4224xi32, #tpu.memory_space<hbm>>) target(%arg8 : memref<2x4224xi32, #tpu.memory_space<vmem>>) target_semaphore(%arg12 : memref<!tpu.dma_semaphore, #tpu.memory_space<semaphore_mem>>)
    %scan3A_34 = arith.constant 0 : i32
    %scan3A_35 = arith.constant 0 : i32
    %scan3A_36 = arith.constant 25 : i32
    %scan3A_37 = arith.addi %scan3A_35, %scan3A_36 : i32
    %scan3A_38 = arith.constant 1 : i32
    scf.for %scan3A_48 = %scan3A_35 to %scan3A_37 step %scan3A_38  : i32 {
      %mul3A_49 = arith.constant 2 : i32
      %mul3A_50 = arith.muli %mul3A_49, %scan3A_48 : i32
      %add3A_51 = arith.constant 0 : i32
      %add3A_52 = arith.addi %mul3A_50, %add3A_51 : i32
      %add3A_53 = arith.constant 1 : i32
      %add3A_54 = arith.addi %add3A_52, %add3A_53 : i32
      %mul3A_55 = arith.constant 4000 : i32
      %mul3A_56 = arith.muli %add3A_54, %mul3A_55 : i32
      %add3A_57 = arith.addi %mul3A_2, %mul3A_56 : i32
      %rem3A_58 = arith.constant 128 : i32
      %rem3A_59 = arith.remsi %add3A_57, %rem3A_58 : i32
      %sub3A_60 = arith.subi %add3A_57, %rem3A_59 : i32
      %min3A_61 = arith.constant 6395776 : i32
      %min3A_62 = arith.minsi %sub3A_60, %min3A_61 : i32
      %multiple_of3A_63 = tpu.assume_multiple %min3A_62, 128 : i32
      %dma_start3A_64 = arith.constant 0 : i32
      %dma_start3A_65 = tpu.memref_slice %arg4[%dma_start3A_64, %multiple_of3A_63] : memref<2x6400000xi32, #tpu.memory_space<hbm>> -> memref<2x4224xi32, #tpu.memory_space<hbm>>
      %dma_start3A_66 = arith.constant 0 : i32
      %dma_start3A_67 = tpu.memref_slice %arg4[%dma_start3A_66, %multiple_of3A_63] : memref<2x6400000xi32, #tpu.memory_space<hbm>> -> memref<2x4224xi32, #tpu.memory_space<hbm>>
      tpu.enqueue_dma source(%dma_start3A_67 : memref<2x4224xi32, #tpu.memory_space<hbm>>) target(%arg9 : memref<2x4224xi32, #tpu.memory_space<vmem>>) target_semaphore(%arg13 : memref<!tpu.dma_semaphore, #tpu.memory_space<semaphore_mem>>)
      %mul3A_68 = arith.constant 4000 : i32
      %mul3A_69 = arith.muli %add3A_52, %mul3A_68 : i32
      %add3A_70 = arith.addi %mul3A_2, %mul3A_69 : i32
      %rem3A_71 = arith.constant 128 : i32
      %rem3A_72 = arith.remsi %add3A_70, %rem3A_71 : i32
      %sub3A_73 = arith.subi %add3A_70, %rem3A_72 : i32
      %min3A_74 = arith.constant 6395776 : i32
      %min3A_75 = arith.minsi %sub3A_73, %min3A_74 : i32
      %multiple_of3A_76 = tpu.assume_multiple %min3A_75, 128 : i32
      %dma_wait3A_77 = arith.constant 0 : i32
      %dma_wait3A_78 = tpu.memref_slice %arg4[%dma_wait3A_77, %multiple_of3A_76] : memref<2x6400000xi32, #tpu.memory_space<hbm>> -> memref<2x4224xi32, #tpu.memory_space<hbm>>
      %dma_wait3A_79 = arith.constant 0 : i32
      %dma_wait3A_80 = tpu.memref_slice %arg4[%dma_wait3A_79, %multiple_of3A_76] : memref<2x6400000xi32, #tpu.memory_space<hbm>> -> memref<2x4224xi32, #tpu.memory_space<hbm>>
      tpu.wait_dma2 semaphore(%arg12 : memref<!tpu.dma_semaphore, #tpu.memory_space<semaphore_mem>>) src(%dma_wait3A_80 : memref<2x4224xi32, #tpu.memory_space<hbm>>) dst(%arg8 : memref<2x4224xi32, #tpu.memory_space<vmem>>)
      %ge3A = arith.constant 1 : i32
      %ge3A_81 = arith.cmpi sge, %scan3A_48, %ge3A : i32
      %convert_element_type3A = arith.extui %ge3A_81 : i1 to i32
      %cond3A = arith.constant 0 : i32
      %cond3A_82 = arith.cmpi ne, %convert_element_type3A, %cond3A : i32
      scf.if %cond3A_82 {
        %sub3A_150 = arith.constant 2 : i32
        %sub3A_151 = arith.subi %add3A_52, %sub3A_150 : i32
        %mul3A_152 = arith.constant 4000 : i32
        %mul3A_153 = arith.muli %sub3A_151, %mul3A_152 : i32
        %add3A_154 = arith.addi %mul3A_2, %mul3A_153 : i32
        %dma_wait3A_155 = tpu.memref_slice %arg6[%add3A_154] : memref<6400000xi32, #tpu.memory_space<hbm>> -> memref<4000xi32, #tpu.memory_space<hbm>>
        %dma_wait3A_156 = tpu.memref_slice %arg6[%add3A_154] : memref<6400000xi32, #tpu.memory_space<hbm>> -> memref<4000xi32, #tpu.memory_space<hbm>>
        tpu.wait_dma2 semaphore(%arg14 : memref<!tpu.dma_semaphore, #tpu.memory_space<semaphore_mem>>) src(%arg10 : memref<4000xi32, #tpu.memory_space<vmem>>) dst(%dma_wait3A_156 : memref<4000xi32, #tpu.memory_space<hbm>>)
      } else {
      }
      %mul3A_83 = arith.constant 4000 : i32
      %mul3A_84 = arith.muli %add3A_52, %mul3A_83 : i32
      %add3A_85 = arith.addi %mul3A_2, %mul3A_84 : i32
      %mul3A_86 = arith.constant 4000 : i32
      %mul3A_87 = arith.muli %add3A_52, %mul3A_86 : i32
      %add3A_88 = arith.addi %mul3A_2, %mul3A_87 : i32
      %rem3A_89 = arith.constant 128 : i32
      %rem3A_90 = arith.remsi %add3A_88, %rem3A_89 : i32
      %sub3A_91 = arith.subi %add3A_88, %rem3A_90 : i32
      %min3A_92 = arith.constant 6395776 : i32
      %min3A_93 = arith.minsi %sub3A_91, %min3A_92 : i32
      %multiple_of3A_94 = tpu.assume_multiple %min3A_93, 128 : i32
      %sub3A_95 = arith.subi %add3A_85, %multiple_of3A_94 : i32
      %parallel_loop3A = arith.constant 0 : i32
      %parallel_loop3A_96 = arith.constant 250 : i32
      %parallel_loop3A_97 = arith.constant 1 : i32
      scf.for %parallel_loop3A_150 = %parallel_loop3A to %parallel_loop3A_96 step %parallel_loop3A_97  : i32 {
        %parallel_loop3A_151 = arith.constant 16 : i32
        %parallel_loop3A_152 = arith.muli %parallel_loop3A_150, %parallel_loop3A_151 : i32
        %parallel_loop3A_153 = arith.addi %sub3A_95, %parallel_loop3A_152 : i32
        %parallel_loop3A_154 = arith.constant 0 : i32
        %parallel_loop3A_155 = arith.index_cast %parallel_loop3A_154 : i32 to index
        %parallel_loop3A_156 = arith.index_cast %parallel_loop3A_153 : i32 to index
        %parallel_loop3A_157 = tpu.vector_load %arg8[%parallel_loop3A_155, %parallel_loop3A_156] {strides = array<i32>} : memref<2x4224xi32, #tpu.memory_space<vmem>>, vector<16xi32>,
        %parallel_loop3A_158 = arith.constant 16 : i32
        %parallel_loop3A_159 = arith.muli %parallel_loop3A_150, %parallel_loop3A_158 : i32
        %parallel_loop3A_160 = arith.addi %sub3A_95, %parallel_loop3A_159 : i32
        %parallel_loop3A_161 = arith.constant 1 : i32
        %parallel_loop3A_162 = arith.index_cast %parallel_loop3A_161 : i32 to index
        %parallel_loop3A_163 = arith.index_cast %parallel_loop3A_160 : i32 to index
        %parallel_loop3A_164 = tpu.vector_load %arg8[%parallel_loop3A_162, %parallel_loop3A_163] {strides = array<i32>} : memref<2x4224xi32, #tpu.memory_space<vmem>>, vector<16xi32>,
        %parallel_loop3A_165 = tpu.vector_load_idx %arg7[%parallel_loop3A_157] : memref<100000xi32, #tpu.memory_space<vmem>>[vector<16xi32>], vector<16xi32>,
        %parallel_loop3A_166 = tpu.vector_load_idx %arg7[%parallel_loop3A_164] : memref<100000xi32, #tpu.memory_space<vmem>>[vector<16xi32>], vector<16xi32>,
        %parallel_loop3A_167 = arith.xori %parallel_loop3A_165, %parallel_loop3A_166 : vector<16xi32>
        %parallel_loop3A_168 = arith.constant 16 : i32
        %parallel_loop3A_169 = arith.muli %parallel_loop3A_150, %parallel_loop3A_168 : i32
        %parallel_loop3A_170 = arith.index_cast %parallel_loop3A_169 : i32 to index
        %parallel_loop3A_171 = tpu.vector_load %arg10[%parallel_loop3A_170] {strides = array<i32>} : memref<4000xi32, #tpu.memory_space<vmem>>, vector<16xi32>,
        tpu.vector_store %arg10[%parallel_loop3A_170], %parallel_loop3A_167 {strides = array<i32>} : memref<4000xi32, #tpu.memory_space<vmem>>, vector<16xi32>,
      } {sc.loop_unroll_factor = 8 : i64, sc.parallel_access}
      %mul3A_98 = arith.constant 4000 : i32
      %mul3A_99 = arith.muli %add3A_52, %mul3A_98 : i32
      %add3A_100 = arith.addi %mul3A_2, %mul3A_99 : i32
      %dma_start3A_101 = tpu.memref_slice %arg6[%add3A_100] : memref<6400000xi32, #tpu.memory_space<hbm>> -> memref<4000xi32, #tpu.memory_space<hbm>>
      %dma_start3A_102 = tpu.memref_slice %arg6[%add3A_100] : memref<6400000xi32, #tpu.memory_space<hbm>> -> memref<4000xi32, #tpu.memory_space<hbm>>
      tpu.enqueue_dma source(%arg10 : memref<4000xi32, #tpu.memory_space<vmem>>) target(%dma_start3A_102 : memref<4000xi32, #tpu.memory_space<hbm>>) target_semaphore(%arg14 : memref<!tpu.dma_semaphore, #tpu.memory_space<semaphore_mem>>)
      %mul3A_103 = arith.constant 2 : i32
      %mul3A_104 = arith.muli %mul3A_103, %scan3A_48 : i32
      %add3A_105 = arith.constant 1 : i32
      %add3A_106 = arith.addi %mul3A_104, %add3A_105 : i32
      %lt3A = arith.constant 24 : i32
      %lt3A_107 = arith.cmpi slt, %scan3A_48, %lt3A : i32
      %convert_element_type3A_108 = arith.extui %lt3A_107 : i1 to i32
      %cond3A_109 = arith.constant 0 : i32
      %cond3A_110 = arith.cmpi ne, %convert_element_type3A_108, %cond3A_109 : i32
      scf.if %cond3A_110 {
        %add3A_150 = arith.constant 1 : i32
        %add3A_151 = arith.addi %add3A_106, %add3A_150 : i32
        %mul3A_152 = arith.constant 4000 : i32
        %mul3A_153 = arith.muli %add3A_151, %mul3A_152 : i32
        %add3A_154 = arith.addi %mul3A_2, %mul3A_153 : i32
        %rem3A_155 = arith.constant 128 : i32
        %rem3A_156 = arith.remsi %add3A_154, %rem3A_155 : i32
        %sub3A_157 = arith.subi %add3A_154, %rem3A_156 : i32
        %min3A_158 = arith.constant 6395776 : i32
        %min3A_159 = arith.minsi %sub3A_157, %min3A_158 : i32
        %multiple_of3A_160 = tpu.assume_multiple %min3A_159, 128 : i32
        %dma_start3A_161 = arith.constant 0 : i32
        %dma_start3A_162 = tpu.memref_slice %arg4[%dma_start3A_161, %multiple_of3A_160] : memref<2x6400000xi32, #tpu.memory_space<hbm>> -> memref<2x4224xi32, #tpu.memory_space<hbm>>
        %dma_start3A_163 = arith.constant 0 : i32
        %dma_start3A_164 = tpu.memref_slice %arg4[%dma_start3A_163, %multiple_of3A_160] : memref<2x6400000xi32, #tpu.memory_space<hbm>> -> memref<2x4224xi32, #tpu.memory_space<hbm>>
        tpu.enqueue_dma source(%dma_start3A_164 : memref<2x4224xi32, #tpu.memory_space<hbm>>) target(%arg8 : memref<2x4224xi32, #tpu.memory_space<vmem>>) target_semaphore(%arg12 : memref<!tpu.dma_semaphore, #tpu.memory_space<semaphore_mem>>)
      } else {
      }
      %mul3A_111 = arith.constant 4000 : i32
      %mul3A_112 = arith.muli %add3A_106, %mul3A_111 : i32
      %add3A_113 = arith.addi %mul3A_2, %mul3A_112 : i32
      %rem3A_114 = arith.constant 128 : i32
      %rem3A_115 = arith.remsi %add3A_113, %rem3A_114 : i32
      %sub3A_116 = arith.subi %add3A_113, %rem3A_115 : i32
      %min3A_117 = arith.constant 6395776 : i32
      %min3A_118 = arith.minsi %sub3A_116, %min3A_117 : i32
      %multiple_of3A_119 = tpu.assume_multiple %min3A_118, 128 : i32
      %dma_wait3A_120 = arith.constant 0 : i32
      %dma_wait3A_121 = tpu.memref_slice %arg4[%dma_wait3A_120, %multiple_of3A_119] : memref<2x6400000xi32, #tpu.memory_space<hbm>> -> memref<2x4224xi32, #tpu.memory_space<hbm>>
      %dma_wait3A_122 = arith.constant 0 : i32
      %dma_wait3A_123 = tpu.memref_slice %arg4[%dma_wait3A_122, %multiple_of3A_119] : memref<2x6400000xi32, #tpu.memory_space<hbm>> -> memref<2x4224xi32, #tpu.memory_space<hbm>>
      tpu.wait_dma2 semaphore(%arg13 : memref<!tpu.dma_semaphore, #tpu.memory_space<semaphore_mem>>) src(%dma_wait3A_123 : memref<2x4224xi32, #tpu.memory_space<hbm>>) dst(%arg9 : memref<2x4224xi32, #tpu.memory_space<vmem>>)
      %ge3A_124 = arith.constant 1 : i32
      %ge3A_125 = arith.cmpi sge, %scan3A_48, %ge3A_124 : i32
      %convert_element_type3A_126 = arith.extui %ge3A_125 : i1 to i32
      %cond3A_127 = arith.constant 0 : i32
      %cond3A_128 = arith.cmpi ne, %convert_element_type3A_126, %cond3A_127 : i32
      scf.if %cond3A_128 {
        %sub3A_150 = arith.constant 2 : i32
        %sub3A_151 = arith.subi %add3A_106, %sub3A_150 : i32
        %mul3A_152 = arith.constant 4000 : i32
        %mul3A_153 = arith.muli %sub3A_151, %mul3A_152 : i32
        %add3A_154 = arith.addi %mul3A_2, %mul3A_153 : i32
        %dma_wait3A_155 = tpu.memref_slice %arg6[%add3A_154] : memref<6400000xi32, #tpu.memory_space<hbm>> -> memref<4000xi32, #tpu.memory_space<hbm>>
        %dma_wait3A_156 = tpu.memref_slice %arg6[%add3A_154] : memref<6400000xi32, #tpu.memory_space<hbm>> -> memref<4000xi32, #tpu.memory_space<hbm>>
        tpu.wait_dma2 semaphore(%arg15 : memref<!tpu.dma_semaphore, #tpu.memory_space<semaphore_mem>>) src(%arg11 : memref<4000xi32, #tpu.memory_space<vmem>>) dst(%dma_wait3A_156 : memref<4000xi32, #tpu.memory_space<hbm>>)
      } else {
      }
      %mul3A_129 = arith.constant 4000 : i32
      %mul3A_130 = arith.muli %add3A_106, %mul3A_129 : i32
      %add3A_131 = arith.addi %mul3A_2, %mul3A_130 : i32
      %mul3A_132 = arith.constant 4000 : i32
      %mul3A_133 = arith.muli %add3A_106, %mul3A_132 : i32
      %add3A_134 = arith.addi %mul3A_2, %mul3A_133 : i32
      %rem3A_135 = arith.constant 128 : i32
      %rem3A_136 = arith.remsi %add3A_134, %rem3A_135 : i32
      %sub3A_137 = arith.subi %add3A_134, %rem3A_136 : i32
      %min3A_138 = arith.constant 6395776 : i32
      %min3A_139 = arith.minsi %sub3A_137, %min3A_138 : i32
      %multiple_of3A_140 = tpu.assume_multiple %min3A_139, 128 : i32
      %sub3A_141 = arith.subi %add3A_131, %multiple_of3A_140 : i32
      %parallel_loop3A_142 = arith.constant 0 : i32
      %parallel_loop3A_143 = arith.constant 250 : i32
      %parallel_loop3A_144 = arith.constant 1 : i32
      scf.for %parallel_loop3A_150 = %parallel_loop3A_142 to %parallel_loop3A_143 step %parallel_loop3A_144  : i32 {
        %parallel_loop3A_151 = arith.constant 16 : i32
        %parallel_loop3A_152 = arith.muli %parallel_loop3A_150, %parallel_loop3A_151 : i32
        %parallel_loop3A_153 = arith.addi %sub3A_141, %parallel_loop3A_152 : i32
        %parallel_loop3A_154 = arith.constant 0 : i32
        %parallel_loop3A_155 = arith.index_cast %parallel_loop3A_154 : i32 to index
        %parallel_loop3A_156 = arith.index_cast %parallel_loop3A_153 : i32 to index
        %parallel_loop3A_157 = tpu.vector_load %arg9[%parallel_loop3A_155, %parallel_loop3A_156] {strides = array<i32>} : memref<2x4224xi32, #tpu.memory_space<vmem>>, vector<16xi32>,
        %parallel_loop3A_158 = arith.constant 16 : i32
        %parallel_loop3A_159 = arith.muli %parallel_loop3A_150, %parallel_loop3A_158 : i32
        %parallel_loop3A_160 = arith.addi %sub3A_141, %parallel_loop3A_159 : i32
        %parallel_loop3A_161 = arith.constant 1 : i32
        %parallel_loop3A_162 = arith.index_cast %parallel_loop3A_161 : i32 to index
        %parallel_loop3A_163 = arith.index_cast %parallel_loop3A_160 : i32 to index
        %parallel_loop3A_164 = tpu.vector_load %arg9[%parallel_loop3A_162, %parallel_loop3A_163] {strides = array<i32>} : memref<2x4224xi32, #tpu.memory_space<vmem>>, vector<16xi32>,
        %parallel_loop3A_165 = tpu.vector_load_idx %arg7[%parallel_loop3A_157] : memref<100000xi32, #tpu.memory_space<vmem>>[vector<16xi32>], vector<16xi32>,
        %parallel_loop3A_166 = tpu.vector_load_idx %arg7[%parallel_loop3A_164] : memref<100000xi32, #tpu.memory_space<vmem>>[vector<16xi32>], vector<16xi32>,
        %parallel_loop3A_167 = arith.xori %parallel_loop3A_165, %parallel_loop3A_166 : vector<16xi32>
        %parallel_loop3A_168 = arith.constant 16 : i32
        %parallel_loop3A_169 = arith.muli %parallel_loop3A_150, %parallel_loop3A_168 : i32
        %parallel_loop3A_170 = arith.index_cast %parallel_loop3A_169 : i32 to index
        %parallel_loop3A_171 = tpu.vector_load %arg11[%parallel_loop3A_170] {strides = array<i32>} : memref<4000xi32, #tpu.memory_space<vmem>>, vector<16xi32>,
        tpu.vector_store %arg11[%parallel_loop3A_170], %parallel_loop3A_167 {strides = array<i32>} : memref<4000xi32, #tpu.memory_space<vmem>>, vector<16xi32>,
      } {sc.loop_unroll_factor = 8 : i64, sc.parallel_access}
      %mul3A_145 = arith.constant 4000 : i32
      %mul3A_146 = arith.muli %add3A_106, %mul3A_145 : i32
      %add3A_147 = arith.addi %mul3A_2, %mul3A_146 : i32
      %dma_start3A_148 = tpu.memref_slice %arg6[%add3A_147] : memref<6400000xi32, #tpu.memory_space<hbm>> -> memref<4000xi32, #tpu.memory_space<hbm>>
      %dma_start3A_149 = tpu.memref_slice %arg6[%add3A_147] : memref<6400000xi32, #tpu.memory_space<hbm>> -> memref<4000xi32, #tpu.memory_space<hbm>>
      tpu.enqueue_dma source(%arg11 : memref<4000xi32, #tpu.memory_space<vmem>>) target(%dma_start3A_149 : memref<4000xi32, #tpu.memory_space<hbm>>) target_semaphore(%arg15 : memref<!tpu.dma_semaphore, #tpu.memory_space<semaphore_mem>>)
    }
    %scan3A_39 = arith.constant 25 : i32
    %add3A_40 = arith.constant 192000 : i32
    %add3A_41 = arith.addi %mul3A_2, %add3A_40 : i32
    %dma_wait3A_42 = tpu.memref_slice %arg6[%add3A_41] : memref<6400000xi32, #tpu.memory_space<hbm>> -> memref<4000xi32, #tpu.memory_space<hbm>>
    %dma_wait3A_43 = tpu.memref_slice %arg6[%add3A_41] : memref<6400000xi32, #tpu.memory_space<hbm>> -> memref<4000xi32, #tpu.memory_space<hbm>>
    tpu.wait_dma2 semaphore(%arg14 : memref<!tpu.dma_semaphore, #tpu.memory_space<semaphore_mem>>) src(%arg10 : memref<4000xi32, #tpu.memory_space<vmem>>) dst(%dma_wait3A_43 : memref<4000xi32, #tpu.memory_space<hbm>>)
    %add3A_44 = arith.constant 196000 : i32
    %add3A_45 = arith.addi %mul3A_2, %add3A_44 : i32
    %dma_wait3A_46 = tpu.memref_slice %arg6[%add3A_45] : memref<6400000xi32, #tpu.memory_space<hbm>> -> memref<4000xi32, #tpu.memory_space<hbm>>
    %dma_wait3A_47 = tpu.memref_slice %arg6[%add3A_45] : memref<6400000xi32, #tpu.memory_space<hbm>> -> memref<4000xi32, #tpu.memory_space<hbm>>
    tpu.wait_dma2 semaphore(%arg15 : memref<!tpu.dma_semaphore, #tpu.memory_space<semaphore_mem>>) src(%arg11 : memref<4000xi32, #tpu.memory_space<vmem>>) dst(%dma_wait3A_47 : memref<4000xi32, #tpu.memory_space<hbm>>)
    return
  }
}

</mosaic_0001>

<sc_bundles>
// kernel: kernel.3.cloned.1.call-start
scs
__scs_entry_jumppad:
0x0: {  	(pc) =	sbr.rel $0x88, $3  }
0x1: {  	(tag) =	ssettag $0x0;
	lr =	simm.s32 $0x1  }
0x2: {  	[smem:$0x3F9E] =	sst lr;
	_ =	strace $0xD0000000  }
0x3: {  	_ = 	snop  }
0x4: {  	_ = 	snop  }
0x5: {  	_ = 	snop  }
0x6: {  	_ = 	snop  }
0x7: {  	_ = 	snop  }
__scs_overlays_trampoline_lowered:
0x8: {  	[smem:$0x3FAD] =	sst s0  }
0x9: {  	[smem:$0x3FAE] =	sst s1  }
0xa: {  	[smem:$0x3FAF] =	sst s2  }
0xb: {  	[smem:$0x3FB0] =	sst s3  }
0xc: {  	[smem:$0x3FB1] =	sst s4  }
0xd: {  	[smem:$0x3FB2] =	sst s5  }
0xe: {  	[smem:$0x3FB3] =	sst s6  }
0xf: {  	[smem:$0x3FB4] =	sst s7  }
0x10: {  	[smem:$0x3FB5] =	sst s8  }
0x11: {  	[smem:$0x3FB6] =	sst s9;
	s0 =	simm.s32 @!p0 $0x0  }
0x12: {  	s1 =	sld [smem:$0x3F9C];
	s0 =	simm.s32 @p0 $0x1  }
0x13: {  	[smem:$0x3FB7] =	sst s0;
	s0 =	simm.s32 @!p1 $0x0  }
0x14: {  	s2 =	sld [smem:$0x3F9B];
	s0 =	simm.s32 @p1 $0x1  }
0x15: {  	[smem:$0x3FB8] =	sst s0;
	s0 =	simm.s32 @!p2 $0x0  }
0x16: {  	s3 =	sld [smem:$0x3FDB];
	s0 =	simm.s32 @p2 $0x1  }
0x17: {  	s4 =	simm.s32 $0x1BF5;
	[smem:$0x3FBA] =	sst s0  }
0x18: {  	s0 =	sld [smem:$0x3F9D];
	_ =	swait.ge [sflag:s4], $0x0  }
0x19: {  	s7 =	sld [smem:$0x3F9E]  }
0x1a: {  	s8 =	sadd.s32 $0xFFFFE003, lr  }
0x1b: {  	s9 =	sadd.s32 $0xFFFFFEF7, lr;
	s5 =	simm.s32 $0xFFFFFFFF;
	p2 =	slt.u32 s8, $0xFFFFF086  }
0x1c: {  	p1 =	slt.u32 s9, $0xF7A;
	s5 =	simm.s32 @!p2 $0x0  }
0x1d: {  	s5 =	simm.s32 @p1 $0x1;
	p0 =	seq.s32 s7, s2  }
0x1e: {  	s7 =	smul.u32 @!p0 $0xF7A, s2;
	p2 =	seq.s32 @!p0 s5, $0x0  }
0x1f: {  	s9 =	smul.u32 $0xF7A, s1;
	s8 =	simm.s32 @!p0 $0x1BF5;
	p2 =	por !p2, p0  }
0x20: {  	[sflag:s8] =	ssyncset.s32 @!p0 $0xFFFFF086;
	s6 =	sadd.s32 @!p0 s3, s7;
	s7 =	simm.s32 @!p0 $0x108  }
0x21: {  	s3 =	sadd.s32 s3, s9;
	s6 =	sadd.s32 @!p0 $0x88, s6;
	s7 =	simm.s32 @p2 $0x1082  }
0x22: {  	[simem:s7], [sflag:s8] =	dma.local @!p0 [hbm:s6], $0xF7A  }
0x23: {  	s9 =	sor.u32 $0xD0000000, s2;
	s6 =	simm.s32 $0x108;
	_ =	swait.ge @!p0 [sflag:s8], $0x0  }
0x24: {  	s3 =	sadd.s32 $0x88, s3;
	s6 =	simm.s32 @!p1 $0x1082;
	[sflag:s4] =	ssyncset.s32 $0xFFFFF086  }
0x25: {  	[simem:s6], [sflag:s4] =	dma.local [hbm:s3], $0xF7A  }
0x26: {  	[smem:$0x3F9E] =	sst s1;
	(tag) =	ssettag s2;
	_ =	strace s9  }
0x27: {  	s1 =	sld [smem:$0x3FAE]  }
0x28: {  	s2 =	sld [smem:$0x3FAF]  }
0x29: {  	s4 =	sld [smem:$0x3FB1]  }
0x2a: {  	p0 =	seq.s32 s5, $0x0;
	s5 =	sld [smem:$0x3FB2]  }
0x2b: {  	s6 =	sld [smem:$0x3FB3]  }
0x2c: {  	s7 =	sld [smem:$0x3FB4]  }
0x2d: {  	s3 =	simm.s32 $0x108;
	s8 =	sld [smem:$0x3FB5]  }
0x2e: {  	s3 =	simm.s32 @!p0 $0x1082;
	s9 =	sld [smem:$0x3FB6]  }
0x2f: {  	lr =	sadd.s32 s0, s3;
	s0 =	sld [smem:$0x3FAD]  }
0x30: {  	s3 =	sld [smem:$0x3FB0]  }
0x31: {  	[smem:$0x3FB9] =	sst s10  }
0x32: {  	s10 =	sld [smem:$0x3FB7];
	_ =	sdelay $0x3  }
0x33: {  	p0 =	seq.s32 s10, $0x1;
	s10 =	sld [smem:$0x3FB9];
	_ =	sdelay $0x3  }
0x34: {  	[smem:$0x3FB9] =	sst s10  }
0x35: {  	s10 =	sld [smem:$0x3FB8];
	_ =	sdelay $0x3  }
0x36: {  	p1 =	seq.s32 s10, $0x1;
	s10 =	sld [smem:$0x3FB9];
	_ =	sdelay $0x3  }
0x37: {  	[smem:$0x3FB9] =	sst s10  }
0x38: {  	s10 =	sld [smem:$0x3FBA]  }
0x39: {  	_ = 	snop;
	(pc) =	sbr.ind lr, $3  }
0x3a: {  	_ = 	snop  }
0x3b: {  	_ = 	snop  }
0x3c: {  	p2 =	seq.s32 s10, $0x1;
	s10 =	sld [smem:$0x3FB9]  }
0x3d: {  	_ =	shalt  }
0x3e: {  	_ =	shalt  }
0x3f: {  	_ =	shalt  }
0x40: {  	_ =	shalt  }
0x41: {  	_ =	shalt  }
0x42: {  	_ =	shalt  }
0x43: {  	_ =	shalt  }
0x44: {  	_ =	shalt  }
0x45: {  	_ =	shalt  }
0x46: {  	_ =	shalt  }
0x47: {  	_ =	shalt  }
0x48: {  	_ =	shalt  }
0x49: {  	_ =	shalt  }
0x4a: {  	_ =	shalt  }
0x4b: {  	_ =	shalt  }
0x4c: {  	_ =	shalt  }
0x4d: {  	_ =	shalt  }
0x4e: {  	_ =	shalt  }
0x4f: {  	_ =	shalt  }
0x50: {  	_ =	shalt  }
0x51: {  	_ =	shalt  }
0x52: {  	_ =	shalt  }
0x53: {  	_ =	shalt  }
0x54: {  	_ =	shalt  }
0x55: {  	_ =	shalt  }
0x56: {  	_ =	shalt  }
0x57: {  	_ =	shalt  }
0x58: {  	_ =	shalt  }
0x59: {  	_ =	shalt  }
0x5a: {  	_ =	shalt  }
0x5b: {  	_ =	shalt  }
0x5c: {  	_ =	shalt  }
0x5d: {  	_ =	shalt  }
0x5e: {  	_ =	shalt  }
0x5f: {  	_ =	shalt  }
0x60: {  	_ =	shalt  }
0x61: {  	_ =	shalt  }
0x62: {  	_ =	shalt  }
0x63: {  	_ =	shalt  }
0x64: {  	_ =	shalt  }
0x65: {  	_ =	shalt  }
0x66: {  	_ =	shalt  }
0x67: {  	_ =	shalt  }
0x68: {  	_ =	shalt  }
0x69: {  	_ =	shalt  }
0x6a: {  	_ =	shalt  }
0x6b: {  	_ =	shalt  }
0x6c: {  	_ =	shalt  }
0x6d: {  	_ =	shalt  }
0x6e: {  	_ =	shalt  }
0x6f: {  	_ =	shalt  }
0x70: {  	_ =	shalt  }
0x71: {  	_ =	shalt  }
0x72: {  	_ =	shalt  }
0x73: {  	_ =	shalt  }
0x74: {  	_ =	shalt  }
0x75: {  	_ =	shalt  }
0x76: {  	_ =	shalt  }
0x77: {  	_ =	shalt  }
0x78: {  	_ =	shalt  }
0x79: {  	_ =	shalt  }
0x7a: {  	_ =	shalt  }
0x7b: {  	_ =	shalt  }
0x7c: {  	_ =	shalt  }
0x7d: {  	_ =	shalt  }
0x7e: {  	_ =	shalt  }
0x7f: {  	_ =	shalt  }
0x80: {  	_ =	shalt  }
0x81: {  	_ =	shalt  }
0x82: {  	_ =	shalt  }
0x83: {  	_ =	shalt  }
0x84: {  	_ =	shalt  }
0x85: {  	_ =	shalt  }
0x86: {  	_ =	shalt  }
0x87: {  	_ =	shalt  }
.Lfunc_end0:
.L_simem_size_0:
called_computation_lowered:
.L_overlay_start_0:
0x88: {  	s2 =	sld [smem:$0x3FD9]  }
0x89: {  	s3 =	sld [smem:$0x3FFE];
	_ =	sdelay $0x1  }
0x8a: {  	s1 =	srdreg.scid  }
0x8b: {  	s0 =	sand.u32 $0x1, s1  }
0x8c: {  	s14 =	sshll.u32 s0, $0xA;
	s2 =	sadd.s32 s3, s2  }
0x8d: {  	s2 =	sadd.s32 s2, s14  }
0x8e: {  	[smem:$0x3FC5] =	sst s2  }
0x8f: {  	_ = 	snop  }
0x90: {  	s2 =	sld [smem:$0x3FD0];
	_ =	sdelay $0x1  }
0x91: {  	s15 =	sld [smem:$0x3FC8]  }
0x92: {  	s5 =	simm.s32 $0xA;
	s6 =	simm.s32 $0x10;
	s4 =	sld [smem:$0x3FC7]  }
0x93: {  	[smem:s6], [sflag:s5] =	dma.local [hbm:s2], $0x1  }
0x94: {  	_ =	swait.eq [sflag:s5], $0x1  }
0x95: {  	[sflag:s5] =	ssyncset.done $0x0  }
0x96: {  	[sflag:s5] =	ssyncadd.s32 $0xFFFFFFFF  }
0x97: {  	s16 =	sld [smem:$0x11];
	(tm) =	ssettm $0x1  }
0x98: {  	s17 =	sld [smem:$0x3FFB];
	_ =	sdelay $0x3  }
0x99: {  	_ =	strace s17  }
0x9a: {  	s5 =	sld [smem:$0x3FFC];
	_ =	sdelay $0x3  }
0x9b: {  	_ =	strace s5  }
0x9c: {  	s5 =	sld [smem:$0x3FFD];
	_ =	sdelay $0x3  }
0x9d: {  	_ =	strace s5  }
0x9e: {  	_ =	strace $0x8FFFFFFF  }
0x9f: {  	s18 =	sld [smem:$0x3FDB];
	_ =	sdelay $0x1  }
0xa0: {  	s19 =	simm.s32 $_scs_section_size  }
0xa1: {  	s7 =	simm.s32 $_size__tile_overlayer_lowered;
	s8 =	simm.s32 $_tile_overlayer_lowered  }
0xa2: {  	s22 =	simm.s32 $0x1BFF;
	s21 =	sshll.u32 s8, $0x1;
	s5 =	sadd.s32 s19, s18  }
0xa3: {  	s9 =	simm.s32 $0x0;
	s20 =	sshll.u32 s7, $0x1;
	s7 =	sadd.s32 s21, s5  }
0xa4: {  	[timem:s9], [sflag:s22] =	dma.local [hbm:s7], s20  }
0xa5: {  	_ =	swait.ge [sflag:s22], s20  }
0xa6: {  	s6 =	ssub.s32 $0x0, s20;
	[sflag:s22] =	ssyncset.done $0x0  }
0xa7: {  	[sflag:s22] =	ssyncadd.s32 s6;
	_ =	sdelay $0x1  }
0xa8: {  	s23 =	simm.s32 $0x1B8B  }
0xa9: {  	_ =	swait.ge [sflag:s23], $0x1  }
0xaa: {  	[sflag:s23] =	ssyncset.done $0x0  }
0xab: {  	s25 =	simm.s32 $0x1B8E;
	s24 =	sld [smem:$0x3FFE];
	[sflag:s23] =	ssyncadd.s32 $0xFFFFFFFF  }
0xac: {  	s26 =	simm.s32 $execute0_lowered;
	[smem:$0x3FD2] =	sst s25  }
0xad: {  	s7 =	sshll.u32 s26, $0x1;
	_ =	strace $0x80000046;
	[dreg:$0x1] =	wrdreg $0xFFFFFFFF  }
0xae: {  	s28 =	simm.s32 $_size_execute0_lowered;
	s5 =	sadd.s32 s5, s7;
	[dreg:$0x0] =	wrdreg $0x0  }
0xaf: {  	s7 =	sshll.u32 s28, $0x1;
	[dreg:$0x2] =	wrdreg s5  }
0xb0: {  	[dreg:$0x3] =	wrdreg s7  }
0xb1: {  	[dreg:$0x4] =	wrdreg $0xC0  }
0xb2: {  	_ =	task [dreg:s9], $0x5FFFF  }
0xb3: {  	[dreg:$0x1] =	wrdreg $0xFFFFFFFF  }
0xb4: {  	[dreg:$0x0] =	wrdreg $0x60  }
0xb5: {  	[dreg:$0x2] =	wrdreg s16  }
0xb6: {  	[dreg:$0x3] =	wrdreg s15  }
0xb7: {  	[dreg:$0x4] =	wrdreg s4  }
0xb8: {  	[dreg:$0x5] =	wrdreg s24  }
0xb9: {  	[dreg:$0x6] =	wrdreg $0x9  }
0xba: {  	_ =	task.clear_ibuf [dreg:s9], $0x7FFFF;
	_ =	strace $0x90000046  }
0xbb: {  	s29 =	simm.s32 $0x9;
	_ =	strace $0x80000048  }
0xbc: {  	_ =	swait.ge [sflag:s29], $0x1  }
0xbd: {  	[sflag:s29] =	ssyncadd.s32 $0xFFFFFFFF  }
0xbe: {  	_ =	strace $0x90000048  }
0xbf: {  	_ =	sfence  }
0xc0: {  	s30 =	sld [smem:$0x0];
	_ =	sdelay $0x2  }
0xc1: {  	s31 =	sshll.u32 s1, $0xD;
	s1 =	sshrl.u32 s1, $0x2  }
0xc2: {  	s3 =	sand.u32 $0x4000, s31;
	s1 =	sadd.s32 s1, s30  }
0xc3: {  	s0 =	sor.u32 s3, s0;
	s1 =	sshll.u32 s1, $0x11  }
0xc4: {  	s0 =	sor.u32 s1, s0  }
0xc5: {  	s0 =	sadd.s32 $0x8F2B, s0  }
0xc6: {  	[sflag:s0] =	ssyncadd.remote.s32 $0x1  }
0xc7: {  	_ =	sfence.sel $0xFFFF  }
0xc8: {  	[dreg:$0x0] =	wrdreg $0xFFFFFFFF;
	(pc) =	sbr.abs _section_cstart, $3  }
0xc9: {  	[dreg:$0x1] =	wrdreg $0xFFFFFFFF  }
0xca: {  	_ =	task.clear_ibuf [dreg:s9], $0x2FFFF;
	_ =	strace $0x9FFFFFFF  }
0xcb: {  	(tm) =	ssettm $0x7FFFFFFF  }
tec
execute0_lowered:
.L_overlay_start_1:
0x0: {  	(tag) =	ssettag $0x1  }
0x1: {  	s8 =	rddreg [dreg:$0x2]  }
0x2: {  	s0 =	rddreg [dreg:$0x3]  }
0x3: {  	s1 =	srdreg.scid;
	s7 =	stileid.u32  }
0x4: {  	s5 =	simm.s32 $0x0;
	s1 =	sand.u32 $0x1, s1;
	s2 =	sshll.u32 s7, $0x1  }
0x5: {  	[smem:$0x7FF] =	sst s5;
	s17 =	sadd.s32 $0x600, s0;
	s18 =	smul.u32 $0x61A80, s7  }
0x6: {  	s0 =	sadd.s32 $0xC3C00, s0;
	s2 =	sor.u32 s1, s2;
	s4 =	smul.u32 $0x30D40, s1  }
0x7: {  	_ =	strace $0x80000047;
	[dreg:$0xe] =	wrdreg s17;
	s9 =	smul.u32 $0x30D40, s2  }
0x8: {  	s7 =	smul.u32 $0xC3500, s7;
	[dreg:$0xf] =	wrdreg s0;
	s19 =	ssub.s32 $0x2, s1  }
0x9: {  	s1 =	smul.u32 $0x61A80, s1;
	s22 =	sadd.s32 s4, s18;
	[dreg:$0xd] =	wrdreg s9  }
0xa: {  	s6 =	sshrl.u32 s19, $0x1;
	s20 =	sadd.s32 $0xFA0, s9;
	[dreg:$0x13] =	wrdreg s22  }
0xb: {  	s2 =	ssub.s32 s19, s6;
	s21 =	sadd.s32 $0x1F40, s9;
	[dreg:$0x11] =	wrdreg s20  }
0xc: {  	s24 =	sadd.s32 s1, s7;
	s23 =	smax.u32 s2, $0x1;
	[dreg:$0x12] =	wrdreg s21  }
0xd: {  	s26 =	sadd.s32 $0xE0, s24;
	[dreg:$0x14] =	wrdreg s23  }
0xe: {  	s28 =	sadd.s32 $0x70, s22;
	[dreg:$0x16] =	wrdreg s26  }
0xf: {  	s25 =	sadd.s32 $0xF80, s22;
	[dreg:$0x17] =	wrdreg s28  }
0x10: {  	s29 =	sadd.s32 $0xFA0, s22;
	[dreg:$0x15] =	wrdreg s25  }
0x11: {  	s0 =	sadd.s32 $0x2020, s24;
	[dreg:$0x19] =	wrdreg s29  }
0x12: {  	s31 =	sadd.s32 $0x1010, s22;
	[dreg:$0x1a] =	wrdreg s0  }
0x13: {  	s30 =	sadd.s32 $0x1F20, s22;
	[dreg:$0x1c] =	wrdreg s31  }
0x14: {  	s3 =	sshrl.u32 s9, $0x2;
	s1 =	sshll.u32 s25, $0x1;
	[dreg:$0x1b] =	wrdreg s30  }
0x15: {  	s3 =	sand.u32 $0x1FFFE0, s3;
	s0 =	sshll.u32 s30, $0x1;
	[dreg:$0x18] =	wrdreg s1  }
0x16: {  	s3 =	sadd.s32 s8, s3;
	[dreg:$0x1d] =	wrdreg s0  }
0x17: {  	s2 =	simm.s32 $0x0;
	[dreg:$0x10] =	wrdreg s3  }
.LBB2_1:
0x18: {  	[dreg:$0x1e] =	wrdreg s2  }
0x19: {  	s0 =	rddreg [dreg:$0x0];
	s28 =	simm.s32 $0x5  }
0x1a: {  	[tilespmem:s5], [sflag:$0x5] =	stream.linear.gather [hbm4b:s0+s5], $0x18700, $0x38;
	[tilespmem:$0x1E900] =	vst v63  }
0x1b: {  	_ =	swait.ge [sflag:s28], $0x18700  }
0x1c: {  	s29 =	rddreg [dreg:$0x10]  }
0x1d: {  	s2 =	rddreg [dreg:$0x1d]  }
0x1e: {  	s30 =	rddreg [dreg:$0x1c]  }
0x1f: {  	s31 =	rddreg [dreg:$0x1a]  }
0x20: {  	s0 =	rddreg [dreg:$0x19]  }
0x21: {  	s9 =	rddreg [dreg:$0x15]  }
0x22: {  	s12 =	rddreg [dreg:$0x18]  }
0x23: {  	s17 =	rddreg [dreg:$0x17]  }
0x24: {  	[sflag:s28] =	ssyncset.done $0x0;
	s18 =	rddreg [dreg:$0x16]  }
0x25: {  	s1 =	simm.s32 $0x18700;
	s19 =	rddreg [dreg:$0x13];
	[sflag:s28] =	ssyncadd.s32 $0xFFFE7900  }
0x26: {  	[tilespmem:s1], [sflag:$0x1] =	stream.linear.gather [hbm4b:s29+s5], $0x2100, $0x38;
	[tilespmem:$0x1E900] =	vst v63  }
0x27: {  	s20 =	simm.s32 $0x0;
	s1 =	rddreg [dreg:$0x1b]  }
.LBB2_2:
0x28: {  	[smem:$0x7F4] =	sst s31  }
0x29: {  	[smem:$0x7F5] =	sst s30  }
0x2a: {  	[smem:$0x7F6] =	sst s0;
	s14 =	sand.u32 $0xFFFFFF80, s0  }
0x2b: {  	s7 =	sshll.u32 s19, $0x1;
	s16 =	rddreg [dreg:$0x11];
	s8 =	sand.u32 $0xFFFFFF80, s19  }
0x2c: {  	s24 =	rddreg [dreg:$0x2];
	s3 =	smin.u32 s14, $0x619780;
	s14 =	smul.u32 $0x1F40, s20  }
0x2d: {  	s21 =	sand.u32 $0xFFFFFF00, s7;
	s23 =	ssub.s32 $0x0, s8;
	s4 =	sshll.u32 s3, $0x1  }
0x2e: {  	s15 =	ssub.s32 $0x0, s3;
	[dreg:$0x6] =	wrdreg s23;
	s0 =	sadd.s32 s14, s16  }
0x2f: {  	s10 =	ssub.s32 $0x0, s21;
	[dreg:$0x8] =	wrdreg s15;
	s22 =	sand.u32 $0xFFFF80, s0  }
0x30: {  	s6 =	ssub.s32 $0x0, s4;
	[dreg:$0x5] =	wrdreg s10;
	s7 =	smin.u32 s22, $0x619780  }
0x31: {  	s25 =	simm.s32 $0x1A800;
	[dreg:$0x7] =	wrdreg s6;
	s7 =	sshrl.u32 s7, $0x2  }
0x32: {  	s26 =	simm.s32 $0x1;
	[smem:$0x7F7] =	sst s0;
	s7 =	sadd.s32 s24, s7  }
0x33: {  	[tilespmem:s25], [sflag:$0x2] =	stream.linear.gather [hbm4b:s7+s5], $0x2100, $0x38;
	[tilespmem:$0x1E900] =	vst v63  }
0x34: {  	_ =	swait.ge [sflag:s26], $0x2100  }
0x35: {  	p0 =	seq.s32 s20, $0x0;
	[sflag:s26] =	ssyncset.done $0x0  }
0x36: {  	s7 =	simm.s32 @!p0 $0x3;
	[sflag:s26] =	ssyncadd.s32 $0xFFFFDF00  }
0x37: {  	_ =	swait.ge @!p0 [sflag:s7], $0xFA0  }
0x38: {  	s0 =	rddreg [dreg:$0x5]  }
0x39: {  	s11 =	rddreg [dreg:$0x6]  }
0x3a: {  	[smem:$0x7F8] =	sst s2  }
0x3b: {  	[smem:$0x7F9] =	sst s1  }
0x3c: {  	s13 =	ssub.s32 s1, s3;
	[smem:$0x7FA] =	sst s12  }
0x3d: {  	s23 =	ssub.s32 s12, s21;
	s22 =	ssub.s32 s2, s4;
	[smem:$0x7FB] =	sst s14  }
0x3e: {  	s24 =	ssub.s32 s9, s8;
	[sflag:s7] =	ssyncset.done @!p0 $0x0;
	[smem:$0x7FD] =	sst s9  }
0x3f: {  	s3 =	sadd.s32 s18, s0;
	s4 =	sadd.s32 s17, s11;
	s11 =	rddreg [dreg:$0xd]  }
0x40: {  	[sflag:s7] =	ssyncadd.s32 @!p0 $0xFFFFF060;
	s0 =	sadd.s32 s11, s14;
	s12 =	sadd.s32 $0xFFFFFFF0, s4  }
0x41: {  	s10 =	sadd.s32 $0xFFFFFFE0, s3;
	s15 =	sadd.s32 $0xFFFFFFA0, s4;
	s16 =	sadd.s32 $0xFFFFFF40, s3  }
0x42: {  	s1 =	sadd.s32 $0xFFFFFF60, s3;
	s21 =	sadd.s32 $0xFFFFFFC0, s4;
	s26 =	sadd.s32 $0xFFFFFF80, s3  }
0x43: {  	s28 =	sadd.s32 $0xFFFFFFD0, s4;
	s29 =	sadd.s32 $0xFFFFFFA0, s3;
	s30 =	sadd.s32 $0xFFFFFFE0, s4  }
0x44: {  	s31 =	sadd.s32 $0xFFFFFFC0, s3;
	s6 =	sand.u32 $0x60, s12;
	s10 =	sand.u32 $0xFFFFFF00, s10  }
0x45: {  	[smem:$0x7FC] =	sst s0;
	s14 =	sand.u32 $0x40, s0;
	s0 =	sadd.s32 $0xFFFFFFB0, s4  }
0x46: {  	s8 =	sand.u32 $0xFFFFFF00, s16;
	s2 =	sand.u32 $0xFFFFFF00, s1;
	s21 =	sand.u32 $0x70, s21  }
0x47: {  	s26 =	sand.u32 $0xFFFFFF00, s26;
	s28 =	sand.u32 $0x40, s28;
	s9 =	sand.u32 $0xFFFFFF00, s29  }
0x48: {  	s29 =	sadd.s32 $0xFFFFFF20, s3;
	s12 =	sand.u32 $0x50, s30;
	s6 =	sor.u32 s6, s10  }
0x49: {  	s16 =	rddreg [dreg:$0x6];
	s10 =	sand.u32 $0x60, s0;
	s21 =	sor.u32 s21, s26;
	v1 =	vld [tilespmem:s6+$0x18700]  }
0x4a: {  	s7 =	sor.u32 $0x18700, s14;
	s6 =	sand.u32 $0x50, s15;
	s0 =	sor.u32 s10, s2;
	v4 =	vld [tilespmem:s21+$0x18700]  }
0x4b: {  	s3 =	sand.u32 $0xFFFFFF00, s3;
	s14 =	rddreg [dreg:$0x5];
	v0 =	vmov s7;
	s6 =	sor.u32 s6, s8;
	v3 =	vld [tilespmem:s0+$0x18700]  }
0x4c: {  	s15 =	sand.u32 $0xFFFFFF00, s31;
	s2 =	sand.u32 $0x70, s4;
	s8 =	sor.u32 s28, s9;
	v2 =	vld [tilespmem:s6+$0x18700]  }
0x4d: {  	s31 =	sadd.s32 $0x80, s17;
	s28 =	sadd.s32 $0x100, s18;
	s0 =	sor.u32 s2, s3;
	v6 =	vld [tilespmem:s8+$0x18700]  }
0x4e: {  	s6 =	sor.u32 s12, s15;
	s1 =	sadd.s32 s28, s14;
	s8 =	sadd.s32 s31, s16;
	v9 =	vld [tilespmem:s0+$0x18700]  }
0x4f: {  	s9 =	sand.u32 $0xFFFFFF00, s29;
	v7 =	vld [tilespmem:s6+$0x18700];
	s10 =	sadd.s32 $0xFFFFFFF0, s8;
	s12 =	sadd.s32 $0xFFFFFFE0, s1  }
0x50: {  	s11 =	simm.s32 $0x0;
	s3 =	sand.u32 $0x60, s10;
	s6 =	sand.u32 $0xFFFFFF00, s12;
	v8 =	vld.idx.msk [tilespmem:v0+s9+$0x0 ss:$0x1], $0xffff  }
0x51: {  	s25 =	simm.s32 $0x1C940;
	s3 =	sor.u32 s3, s6;
	v5 =	vld.idx.msk [tilespmem:v1+s11+$0x0], $0xffff  }
0x52: {  	s4 =	simm.s32 $0x8;
	s14 =	sadd.s32 $0xFFFFFFA0, s8;
	s7 =	sadd.s32 $0xFFFFFF40, s1;
	v1 =	vld [tilespmem:s3+$0x18700]  }
0x53: {  	s15 =	sadd.s32 $0xFFFFFFB0, s8;
	s0 =	sand.u32 $0x50, s14;
	s16 =	sand.u32 $0xFFFFFF00, s7;
	v11 =	vld.idx.msk [tilespmem:v3+s11+$0x0], $0xffff  }
0x54: {  	s21 =	sadd.s32 $0xFFFFFF60, s1;
	s26 =	sadd.s32 $0xFFFFFFC0, s8;
	s0 =	sor.u32 s0, s16;
	v10 =	vld.idx.msk [tilespmem:v2+s11+$0x0], $0xffff  }
0x55: {  	s2 =	sadd.s32 $0xFFFFFF80, s1;
	s12 =	sadd.s32 $0xFFFFFFA0, s1;
	s14 =	sadd.s32 $0xFFFFFFE0, s8;
	v2 =	vld [tilespmem:s0+$0x18700]  }
0x56: {  	s7 =	sand.u32 $0xFFFFFF00, s21;
	s9 =	sadd.s32 $0xFFFFFFD0, s8;
	s6 =	sand.u32 $0x60, s15;
	v3 =	vld.idx.msk [tilespmem:v4+s11+$0x0], $0xffff  }
0x57: {  	s15 =	sadd.s32 $0xFFFFFFC0, s1;
	s16 =	sand.u32 $0x70, s26;
	s10 =	sand.u32 $0xFFFFFF00, s12;
	v4 =	vld.idx.msk [tilespmem:v6+s11+$0x0], $0xffff  }
0x58: {  	s29 =	sand.u32 $0x50, s14;
	s8 =	sand.u32 $0x70, s8;
	s26 =	sand.u32 $0xFFFFFF00, s1;
	[tilespmem:s25+$0x20] =	vst v5;
	v5 =	vld.idx.msk [tilespmem:v7+s11+$0x0], $0xffff  }
0x59: {  	s30 =	sor.u32 s6, s7;
	s7 =	sand.u32 $0x40, s9;
	s3 =	sand.u32 $0xFFFFFF00, s2;
	v6 =	vld.idx.msk [tilespmem:v8+s11+$0x0], $0xffff;
	[tilespmem:s25+$0xFFFFFFE0] =	vst v11  }
0x5a: {  	s6 =	sadd.s32 $0xFFFFFF20, s1;
	s21 =	sor.u32 s16, s3;
	s3 =	sand.u32 $0xFFFFFF00, s15;
	v7 =	vld.idx.msk [tilespmem:v9+s11+$0x0], $0xffff;
	[tilespmem:s25+$0xFFFFFFD0] =	vst v10  }
.LBB2_3:
0x5b: {  	v1 =	vld.idx.msk [tilespmem:v1+s11+$0x0], $0xffff  }
0x5c: {  	s0 =	rddreg [dreg:$0x5];
	s1 =	sor.u32 s7, s10;
	s2 =	sor.u32 s29, s3;
	[tilespmem:s25+$0xFFFFFFF0] =	vst v3;
	v3 =	vld [tilespmem:s30+$0x18700]  }
0x5d: {  	s10 =	rddreg [dreg:$0x6];
	s6 =	sand.u32 $0xFFFFFF00, s6;
	s28 =	sadd.s32 $0x100, s28;
	v2 =	vld.idx.msk [tilespmem:v2+s11+$0x0], $0xffff  }
0x5e: {  	s12 =	sor.u32 s8, s26;
	s31 =	sadd.s32 $0x80, s31;
	s0 =	sadd.s32 s28, s0;
	[tilespmem:s25+$0x0] =	vst v4;
	v4 =	vld [tilespmem:s21+$0x18700]  }
0x5f: {  	s15 =	sadd.s32 $0xFFFFFFE0, s0;
	s8 =	sadd.s32 $0xFFFFFF40, s0;
	[tilespmem:s25+$0x10] =	vst v5;
	v5 =	vld [tilespmem:s1+$0x18700];
	s1 =	sadd.s32 s31, s10  }
0x60: {  	s3 =	sand.u32 $0xFFFFFF00, s15;
	s15 =	sadd.s32 $0xFFFFFFC0, s0;
	[tilespmem:s25+$0xFFFFFFC0] =	vst v6;
	v6 =	vld [tilespmem:s2+$0x18700];
	s14 =	sadd.s32 $0xFFFFFFF0, s1  }
0x61: {  	[tilespmem:s25+$0x30] =	vst v7;
	s25 =	sadd.s32 $0x80, s25;
	v7 =	vld.idx.msk [tilespmem:v0+s6+$0x0 ss:$0x1], $0xffff;
	s16 =	sadd.s32 $0xFFFFFFA0, s1;
	s2 =	sand.u32 $0x60, s14  }
0x62: {  	v8 =	vld [tilespmem:s12+$0x18700];
	s30 =	sand.u32 $0x50, s16;
	s14 =	sand.u32 $0xFFFFFF00, s8;
	[tilespmem:s25+$0x20] =	vst v1;
	s2 =	sor.u32 s2, s3  }
0x63: {  	s4 =	sadd.s32 $0x8, s4;
	s3 =	sand.u32 $0xFFFFFF00, s15;
	s15 =	sor.u32 s30, s14;
	v1 =	vld [tilespmem:s2+$0x18700];
	[tilespmem:s25+$0xFFFFFFD0] =	vst v2  }
0x64: {  	p1 =	slt.u32 s4, $0xF0;
	s26 =	sadd.s32 $0xFFFFFFA0, s0;
	s10 =	sadd.s32 $0xFFFFFF60, s0;
	v2 =	vld [tilespmem:s15+$0x18700]  }
0x65: {  	s21 =	sadd.s32 $0xFFFFFF80, s0;
	s6 =	sadd.s32 $0xFFFFFF20, s0;
	s9 =	sadd.s32 $0xFFFFFFB0, s1;
	v9 =	vld.idx.msk [tilespmem:v3+s11+$0x0], $0xffff  }
.Ltmp0:
0x66: {  	s12 =	sadd.s32 $0xFFFFFFC0, s1;
	s29 =	sadd.s32 $0xFFFFFFE0, s1;
	v3 =	vld.idx.msk [tilespmem:v4+s11+$0x0], $0xffff;
	(pc) =	sbr.rel @p1 .LBB2_3-.Ltmp0, $4  }
0x67: {  	s21 =	sand.u32 $0xFFFFFF00, s21;
	s16 =	sand.u32 $0x60, s9;
	s9 =	sand.u32 $0xFFFFFF00, s10;
	v4 =	vld.idx.msk [tilespmem:v5+s11+$0x0], $0xffff  }
0x68: {  	s12 =	sand.u32 $0x70, s12;
	s10 =	sand.u32 $0xFFFFFF00, s26;
	s29 =	sand.u32 $0x50, s29;
	v5 =	vld.idx.msk [tilespmem:v6+s11+$0x0], $0xffff  }
0x69: {  	s8 =	sand.u32 $0x70, s1;
	s26 =	sand.u32 $0xFFFFFF00, s0;
	s2 =	sadd.s32 $0xFFFFFFD0, s1;
	v6 =	vld.idx.msk [tilespmem:v7+s11+$0x0], $0xffff  }
0x6a: {  	s30 =	sor.u32 s16, s9;
	s21 =	sor.u32 s12, s21;
	s7 =	sand.u32 $0x40, s2;
	v7 =	vld.idx.msk [tilespmem:v8+s11+$0x0], $0xffff;
	[tilespmem:s25+$0xFFFFFFE0] =	vst v9  }
0x6b: {  	v8 =	vld [tilespmem:s30+$0x18700]  }
0x6c: {  	s0 =	sor.u32 s7, s10;
	v9 =	vld [tilespmem:s21+$0x18700]  }
0x6d: {  	s1 =	sor.u32 s29, s3;
	v10 =	vld [tilespmem:s0+$0x18700]  }
0x6e: {  	s29 =	sand.u32 $0xFFFFFF00, s6;
	v11 =	vld [tilespmem:s1+$0x18700]  }
0x6f: {  	s30 =	sor.u32 s8, s26;
	v0 =	vld.idx.msk [tilespmem:v0+s29+$0x0 ss:$0x1], $0xffff  }
0x70: {  	v12 =	vld [tilespmem:s30+$0x18700]  }
0x71: {  	[tilespmem:s25+$0xFFFFFFF0] =	vst v3;
	v1 =	vld.idx.msk [tilespmem:v1+s11+$0x0], $0xffff  }
0x72: {  	v2 =	vld.idx.msk [tilespmem:v2+s11+$0x0], $0xffff;
	[tilespmem:s25+$0x0] =	vst v4  }
0x73: {  	[tilespmem:s25+$0x10] =	vst v5;
	v59 =	vld.idx.msk [tilespmem:v8+s11+$0x0], $0xffff  }
0x74: {  	[tilespmem:s25+$0xFFFFFFC0] =	vst v6;
	v60 =	vld.idx.msk [tilespmem:v9+s11+$0x0], $0xffff  }
0x75: {  	s31 =	sadd.s32 $0x80, s25;
	[tilespmem:s25+$0x30] =	vst v7;
	v61 =	vld.idx.msk [tilespmem:v10+s11+$0x0], $0xffff  }
0x76: {  	[tilespmem:s31+$0x20] =	vst v1;
	v62 =	vld.idx.msk [tilespmem:v11+s11+$0x0], $0xffff  }
0x77: {  	[tilespmem:s31+$0xFFFFFFD0] =	vst v2;
	v0 =	vld.idx.msk [tilespmem:v0+s11+$0x0], $0xffff  }
0x78: {  	v63 =	vld.idx.msk [tilespmem:v12+s11+$0x0], $0xffff;
	[tilespmem:s31+$0xFFFFFFE0] =	vst v59  }
0x79: {  	[tilespmem:s31+$0xFFFFFFF0] =	vst v60  }
0x7a: {  	[tilespmem:s31+$0x0] =	vst v61  }
0x7b: {  	[tilespmem:s31+$0x10] =	vst v62  }
0x7c: {  	[tilespmem:s31+$0xFFFFFFC0] =	vst v0  }
0x7d: {  	[tilespmem:s31+$0x30] =	vst v63  }
.LBB2_5:
0x7e: {  	s0 =	sand.u32 $0x70, s24;
	s1 =	sand.u32 $0xFFFFFF00, s23  }
0x7f: {  	s0 =	sor.u32 s0, s1  }
0x80: {  	v0 =	vld [tilespmem:s0+$0x18700];
	_ =	sdelay $0x7  }
0x81: {  	p1 =	sne.s32 s11, $0x40;
	v0 =	vld.idx.msk [tilespmem:v0+s5+$0x0], $0xffff  }
.Ltmp1:
0x82: {  	_ = 	snop;
	(pc) =	sbr.rel @p1 .LBB2_5-.Ltmp1, $3  }
0x83: {  	_ =	sdelay $0x1  }
0x84: {  	s31 =	sshra.s32 s11, $0x2  }
0x85: {  	s23 =	sadd.s32 $0x20, s23;
	s24 =	sadd.s32 $0x10, s24;
	s11 =	sadd.s32 $0x40, s11;
	[tilespmem:s31+$0x1D880] =	vst v0  }
0x86: {  	s0 =	sld [smem:$0x7FC];
	p1 =	sne.s32 s20, $0x18  }
.Ltmp2:
0x87: {  	_ = 	snop;
	(pc) =	sbr.rel @p1 .LBB2_8-.Ltmp2, $4  }
0x88: {  	s1 =	rddreg [dreg:$0xe]  }
0x89: {  	s30 =	sld [smem:$0x7F5];
	s0 =	sshrl.u32 s0, $0x3  }
0x8a: {  	s29 =	simm.s32 $0x1C900;
	s31 =	sld [smem:$0x7F4];
	s0 =	sadd.s32 s1, s0  }
0x8b: {  	[hbm4b:s0+s5] =	stream.linear.scatter [tilespmem:s29], [sflag:$0x3], $0xFA0, $0x38;
	[tilespmem:$0x1E900] =	vst v63  }
.Ltmp3:
0x8c: {  	(pc) =	sbr.rel .LBB2_9-.Ltmp3, $4  }
0x8d: {  	s0 =	simm.s32 $0x2  }
0x8e: {  	_ =	swait.ge [sflag:s0], $0x2100  }
0x8f: {  	[sflag:s0] =	ssyncset.done $0x0  }
0x90: {  	[sflag:s0] =	ssyncadd.s32 $0xFFFFDF00  }
.LBB2_8:
0x91: {  	s1 =	sld [smem:$0x7FB];
	_ =	sdelay $0x1  }
0x92: {  	s0 =	rddreg [dreg:$0x12]  }
0x93: {  	s0 =	sadd.s32 s1, s0  }
0x94: {  	s0 =	sand.u32 $0xFFFF80, s0  }
0x95: {  	s0 =	smin.u32 s0, $0x619780  }
0x96: {  	s26 =	rddreg [dreg:$0x2];
	s28 =	simm.s32 $0x18700;
	s0 =	sshrl.u32 s0, $0x2  }
.Ltmp4:
0x97: {  	s29 =	simm.s32 $0x2;
	s0 =	sadd.s32 s26, s0;
	(pc) =	sbr.rel @p0 .LBB2_10-.Ltmp4, $4  }
0x98: {  	[tilespmem:s28], [sflag:$0x1] =	stream.linear.gather [hbm4b:s0+s5], $0x2100, $0x38;
	[tilespmem:$0x1E900] =	vst v63  }
0x99: {  	_ =	swait.ge [sflag:s29], $0x2100  }
0x9a: {  	[sflag:s29] =	ssyncset.done $0x0  }
0x9b: {  	[sflag:s29] =	ssyncadd.s32 $0xFFFFDF00  }
.LBB2_9:
0x9c: {  	s0 =	simm.s32 $0x4  }
0x9d: {  	_ =	swait.ge [sflag:s0], $0xFA0  }
0x9e: {  	[sflag:s0] =	ssyncset.done $0x0  }
0x9f: {  	[sflag:s0] =	ssyncadd.s32 $0xFFFFF060  }
.LBB2_10:
0xa0: {  	s0 =	rddreg [dreg:$0x7]  }
0xa1: {  	s1 =	rddreg [dreg:$0x8]  }
0xa2: {  	s4 =	sld [smem:$0x7F7]  }
0xa3: {  	s25 =	rddreg [dreg:$0x7];
	s2 =	sadd.s32 s31, s0;
	s1 =	sadd.s32 s30, s1  }
0xa4: {  	s29 =	rddreg [dreg:$0x8];
	s16 =	sadd.s32 $0xFFFFFFF0, s1;
	s3 =	sadd.s32 $0xFFFFFFE0, s2  }
0xa5: {  	s21 =	sadd.s32 $0xFFFFFFA0, s1;
	s6 =	sadd.s32 $0xFFFFFF40, s2;
	s7 =	sadd.s32 $0xFFFFFFB0, s1  }
0xa6: {  	s8 =	sadd.s32 $0xFFFFFF60, s2;
	s9 =	sadd.s32 $0xFFFFFFC0, s1;
	s10 =	sadd.s32 $0xFFFFFF80, s2  }
0xa7: {  	s11 =	sadd.s32 $0xFFFFFFD0, s1;
	s12 =	sadd.s32 $0xFFFFFFA0, s2;
	s14 =	sadd.s32 $0xFFFFFFE0, s1  }
0xa8: {  	s15 =	sadd.s32 $0xFFFFFFC0, s2;
	s1 =	sand.u32 $0x50, s1;
	s0 =	sand.u32 $0x40, s16  }
0xa9: {  	s3 =	sand.u32 $0xFFFFFF00, s3;
	s4 =	sand.u32 $0x60, s4;
	s6 =	sand.u32 $0xFFFFFF00, s6  }
0xaa: {  	s7 =	sand.u32 $0x40, s7;
	s8 =	sand.u32 $0xFFFFFF00, s8;
	s0 =	sor.u32 s0, s3  }
0xab: {  	s9 =	sand.u32 $0x50, s9;
	s10 =	sand.u32 $0xFFFFFF00, s10;
	s11 =	sand.u32 $0x60, s11;
	v1 =	vld [tilespmem:s0+$0x1A800]  }
0xac: {  	s12 =	sand.u32 $0xFFFFFF00, s12;
	s16 =	sadd.s32 $0xFFFFFF20, s2;
	s24 =	sor.u32 s7, s8  }
0xad: {  	s23 =	sand.u32 $0x70, s14;
	s9 =	sor.u32 s9, s10;
	s0 =	sand.u32 $0x70, s21;
	v3 =	vld [tilespmem:s24+$0x1A800]  }
0xae: {  	s26 =	sand.u32 $0xFFFFFF00, s15;
	s4 =	sor.u32 $0x1A800, s4;
	v4 =	vld [tilespmem:s9+$0x1A800];
	s6 =	sor.u32 s0, s6  }
0xaf: {  	s2 =	sand.u32 $0xFFFFFF00, s2;
	s14 =	sor.u32 s11, s12;
	s11 =	sadd.s32 $0x100, s31;
	v0 =	vmov s4;
	v2 =	vld [tilespmem:s6+$0x1A800]  }
0xb0: {  	s1 =	sor.u32 s1, s2;
	s4 =	sor.u32 s23, s26;
	v6 =	vld [tilespmem:s14+$0x1A800];
	s23 =	sadd.s32 $0x80, s30  }
0xb1: {  	s15 =	sand.u32 $0xFFFFFF00, s16;
	s8 =	sadd.s32 s11, s25;
	v9 =	vld [tilespmem:s1+$0x1A800];
	s9 =	sadd.s32 s23, s29  }
0xb2: {  	s0 =	simm.s32 $0x0;
	v7 =	vld [tilespmem:s4+$0x1A800];
	s7 =	sadd.s32 $0xFFFFFFE0, s8;
	s16 =	sadd.s32 $0xFFFFFFF0, s9  }
0xb3: {  	s21 =	sand.u32 $0xFFFFFF00, s7;
	s2 =	sand.u32 $0x40, s16;
	v5 =	vld.idx.msk [tilespmem:v1+s0+$0x0], $0xffff  }
0xb4: {  	s3 =	simm.s32 $0x1D940;
	s2 =	sor.u32 s2, s21;
	v8 =	vld.idx.msk [tilespmem:v0+s15+$0x0 ss:$0x1], $0xffff  }
0xb5: {  	s4 =	simm.s32 $0x8;
	s29 =	sadd.s32 $0xFFFFFF40, s8;
	s24 =	sadd.s32 $0xFFFFFFA0, s9;
	v1 =	vld [tilespmem:s2+$0x1A800]  }
0xb6: {  	s12 =	sadd.s32 $0xFFFFFF60, s8;
	s1 =	sand.u32 $0x70, s24;
	s21 =	sand.u32 $0xFFFFFF00, s29;
	v11 =	vld.idx.msk [tilespmem:v3+s0+$0x0], $0xffff  }
0xb7: {  	s25 =	sadd.s32 $0xFFFFFFA0, s8;
	s10 =	sadd.s32 $0xFFFFFFB0, s9;
	s1 =	sor.u32 s1, s21;
	v10 =	vld.idx.msk [tilespmem:v2+s0+$0x0], $0xffff  }
0xb8: {  	s14 =	sadd.s32 $0xFFFFFFC0, s9;
	s26 =	sadd.s32 $0xFFFFFFE0, s9;
	s25 =	sand.u32 $0xFFFFFF00, s25;
	[tilespmem:s3+$0x20] =	vst v5;
	v5 =	vld [tilespmem:s1+$0x1A800]  }
0xb9: {  	s6 =	sadd.s32 $0xFFFFFF20, s8;
	s16 =	sadd.s32 $0xFFFFFFD0, s9;
	s24 =	sadd.s32 $0xFFFFFFC0, s8;
	v3 =	vld.idx.msk [tilespmem:v6+s0+$0x0], $0xffff  }
0xba: {  	s28 =	sand.u32 $0x40, s10;
	s10 =	sand.u32 $0x70, s26;
	s29 =	sand.u32 $0xFFFFFF00, s12;
	v2 =	vld.idx.msk [tilespmem:v4+s0+$0x0], $0xffff  }
0xbb: {  	s12 =	sand.u32 $0x50, s14;
	s7 =	sand.u32 $0x60, s16;
	s15 =	sadd.s32 $0xFFFFFF80, s8;
	v4 =	vld.idx.msk [tilespmem:v7+s0+$0x0], $0xffff  }
0xbc: {  	s26 =	sand.u32 $0xFFFFFF00, s24;
	s24 =	sand.u32 $0x50, s9;
	s2 =	sand.u32 $0xFFFFFF00, s15;
	v7 =	vld.idx.msk [tilespmem:v9+s0+$0x0], $0xffff;
	[tilespmem:s3+$0xFFFFFFE0] =	vst v11  }
0xbd: {  	s8 =	sand.u32 $0xFFFFFF00, s8;
	s28 =	sor.u32 s28, s29;
	s21 =	sor.u32 s12, s2;
	v6 =	vld.idx.msk [tilespmem:v8+s0+$0x0], $0xffff;
	[tilespmem:s3+$0xFFFFFFD0] =	vst v10  }
.LBB2_11:
0xbe: {  	v1 =	vld.idx.msk [tilespmem:v1+s0+$0x0], $0xffff  }
0xbf: {  	s1 =	rddreg [dreg:$0x7];
	s2 =	sor.u32 s7, s25;
	s16 =	sor.u32 s10, s26;
	[tilespmem:s3+$0xFFFFFFF0] =	vst v2;
	v2 =	vld [tilespmem:s28+$0x1A800]  }
0xc0: {  	s9 =	rddreg [dreg:$0x8];
	s4 =	sadd.s32 $0x8, s4;
	s11 =	sadd.s32 $0x100, s11;
	[tilespmem:s3+$0x0] =	vst v3;
	v5 =	vld.idx.msk [tilespmem:v5+s0+$0x0], $0xffff  }
0xc1: {  	s6 =	sand.u32 $0xFFFFFF00, s6;
	s23 =	sadd.s32 $0x80, s23;
	s1 =	sadd.s32 s11, s1;
	[tilespmem:s3+$0x10] =	vst v4;
	v3 =	vld [tilespmem:s21+$0x1A800]  }
0xc2: {  	s8 =	sor.u32 s24, s8;
	s26 =	sadd.s32 $0xFFFFFFE0, s1;
	[tilespmem:s3+$0xFFFFFFC0] =	vst v6;
	v4 =	vld [tilespmem:s2+$0x1A800];
	s2 =	sadd.s32 s23, s9  }
0xc3: {  	s10 =	sadd.s32 $0xFFFFFF40, s1;
	[tilespmem:s3+$0x30] =	vst v7;
	s3 =	sadd.s32 $0x80, s3;
	v6 =	vld [tilespmem:s16+$0x1A800];
	s25 =	sadd.s32 $0xFFFFFFF0, s2  }
0xc4: {  	v7 =	vld.idx.msk [tilespmem:v0+s6+$0x0 ss:$0x1], $0xffff;
	s9 =	sand.u32 $0xFFFFFF00, s26;
	s29 =	sadd.s32 $0xFFFFFFA0, s2;
	s7 =	sand.u32 $0x40, s25  }
0xc5: {  	v8 =	vld [tilespmem:s8+$0x1A800];
	s8 =	sand.u32 $0xFFFFFF00, s10;
	s29 =	sand.u32 $0x70, s29;
	s7 =	sor.u32 s7, s9;
	[tilespmem:s3+$0x20] =	vst v1  }
0xc6: {  	p0 =	slt.u32 s4, $0xF0;
	s14 =	sadd.s32 $0xFFFFFF80, s1;
	s29 =	sor.u32 s29, s8;
	[tilespmem:s3+$0xFFFFFFD0] =	vst v5;
	v1 =	vld [tilespmem:s7+$0x1A800]  }
0xc7: {  	s24 =	sadd.s32 $0xFFFFFF60, s1;
	s15 =	sadd.s32 $0xFFFFFFA0, s1;
	s14 =	sand.u32 $0xFFFFFF00, s14;
	v5 =	vld [tilespmem:s29+$0x1A800]  }
0xc8: {  	s26 =	sadd.s32 $0xFFFFFFC0, s1;
	s6 =	sadd.s32 $0xFFFFFF20, s1;
	s21 =	sadd.s32 $0xFFFFFFB0, s2;
	v9 =	vld.idx.msk [tilespmem:v2+s0+$0x0], $0xffff  }
.Ltmp5:
0xc9: {  	s12 =	sadd.s32 $0xFFFFFFC0, s2;
	s16 =	sadd.s32 $0xFFFFFFE0, s2;
	v2 =	vld.idx.msk [tilespmem:v3+s0+$0x0], $0xffff;
	(pc) =	sbr.rel @p0 .LBB2_11-.Ltmp5, $4  }
0xca: {  	s26 =	sand.u32 $0xFFFFFF00, s26;
	s25 =	sadd.s32 $0xFFFFFFD0, s2;
	s28 =	sand.u32 $0x40, s21;
	v3 =	vld.idx.msk [tilespmem:v4+s0+$0x0], $0xffff  }
0xcb: {  	s12 =	sand.u32 $0x50, s12;
	s10 =	sand.u32 $0x70, s16;
	s9 =	sand.u32 $0xFFFFFF00, s24;
	v4 =	vld.idx.msk [tilespmem:v6+s0+$0x0], $0xffff  }
0xcc: {  	s24 =	sand.u32 $0x50, s2;
	s8 =	sand.u32 $0xFFFFFF00, s1;
	s21 =	sor.u32 s12, s14;
	v6 =	vld.idx.msk [tilespmem:v7+s0+$0x0], $0xffff  }
0xcd: {  	s28 =	sor.u32 s28, s9;
	s7 =	sand.u32 $0x60, s25;
	s25 =	sand.u32 $0xFFFFFF00, s15;
	v7 =	vld.idx.msk [tilespmem:v8+s0+$0x0], $0xffff;
	[tilespmem:s3+$0xFFFFFFE0] =	vst v9  }
0xce: {  	v8 =	vld [tilespmem:s28+$0x1A800]  }
0xcf: {  	s1 =	sor.u32 s7, s25;
	v9 =	vld [tilespmem:s21+$0x1A800]  }
0xd0: {  	s2 =	sor.u32 s10, s26;
	v10 =	vld [tilespmem:s1+$0x1A800]  }
0xd1: {  	s26 =	sand.u32 $0xFFFFFF00, s6;
	v11 =	vld [tilespmem:s2+$0x1A800]  }
0xd2: {  	s28 =	sor.u32 s24, s8;
	v0 =	vld.idx.msk [tilespmem:v0+s26+$0x0 ss:$0x1], $0xffff  }
0xd3: {  	v12 =	vld [tilespmem:s28+$0x1A800]  }
0xd4: {  	[tilespmem:s3+$0xFFFFFFF0] =	vst v2;
	v1 =	vld.idx.msk [tilespmem:v1+s0+$0x0], $0xffff  }
0xd5: {  	v58 =	vld.idx.msk [tilespmem:v5+s0+$0x0], $0xffff;
	[tilespmem:s3+$0x0] =	vst v3  }
0xd6: {  	[tilespmem:s3+$0x10] =	vst v4;
	v59 =	vld.idx.msk [tilespmem:v8+s0+$0x0], $0xffff  }
0xd7: {  	[tilespmem:s3+$0xFFFFFFC0] =	vst v6;
	v60 =	vld.idx.msk [tilespmem:v9+s0+$0x0], $0xffff  }
0xd8: {  	s29 =	sadd.s32 $0x80, s3;
	[tilespmem:s3+$0x30] =	vst v7;
	v61 =	vld.idx.msk [tilespmem:v10+s0+$0x0], $0xffff  }
0xd9: {  	[tilespmem:s29+$0x20] =	vst v1;
	v62 =	vld.idx.msk [tilespmem:v11+s0+$0x0], $0xffff  }
0xda: {  	[tilespmem:s29+$0xFFFFFFD0] =	vst v58;
	v0 =	vld.idx.msk [tilespmem:v0+s0+$0x0], $0xffff  }
0xdb: {  	v63 =	vld.idx.msk [tilespmem:v12+s0+$0x0], $0xffff;
	[tilespmem:s29+$0xFFFFFFE0] =	vst v59  }
0xdc: {  	[tilespmem:s29+$0xFFFFFFF0] =	vst v60  }
0xdd: {  	[tilespmem:s29+$0x0] =	vst v61  }
0xde: {  	[tilespmem:s29+$0x10] =	vst v62  }
0xdf: {  	[tilespmem:s29+$0xFFFFFFC0] =	vst v0  }
0xe0: {  	[tilespmem:s29+$0x30] =	vst v63  }
.LBB2_13:
0xe1: {  	s1 =	sand.u32 $0x70, s13;
	s2 =	sand.u32 $0xFFFFFF00, s22  }
0xe2: {  	s1 =	sor.u32 s1, s2  }
0xe3: {  	v0 =	vld [tilespmem:s1+$0x1A800];
	_ =	sdelay $0x7  }
0xe4: {  	p0 =	sne.s32 s0, $0x40;
	v0 =	vld.idx.msk [tilespmem:v0+s5+$0x0], $0xffff  }
.Ltmp6:
0xe5: {  	_ = 	snop;
	(pc) =	sbr.rel @p0 .LBB2_13-.Ltmp6, $3  }
0xe6: {  	_ =	sdelay $0x1  }
0xe7: {  	s29 =	sshra.s32 s0, $0x2  }
0xe8: {  	s22 =	sadd.s32 $0x20, s22;
	s13 =	sadd.s32 $0x10, s13;
	s0 =	sadd.s32 $0x40, s0;
	[tilespmem:s29+$0x1E880] =	vst v0  }
0xe9: {  	s0 =	sld [smem:$0x7F7]  }
0xea: {  	s1 =	rddreg [dreg:$0xe]  }
0xeb: {  	s26 =	simm.s32 $0x1D900;
	s20 =	sadd.s32 $0x1, s20;
	s12 =	sld [smem:$0x7FA]  }
0xec: {  	s19 =	sadd.s32 $0x1F40, s19;
	s18 =	sadd.s32 $0x3E80, s18;
	s9 =	sld [smem:$0x7FD]  }
0xed: {  	s17 =	sadd.s32 $0x1F40, s17;
	s28 =	sld [smem:$0x7F6];
	p0 =	sne.s32 s20, $0x19  }
.Ltmp7:
0xee: {  	s31 =	sadd.s32 $0x3E80, s31;
	s2 =	sld [smem:$0x7F8];
	(pc) =	sbr.rel @p0 .LBB2_2-.Ltmp7, $4  }
0xef: {  	s30 =	sadd.s32 $0x1F40, s30;
	s29 =	sld [smem:$0x7F9];
	s0 =	sshrl.u32 s0, $0x3  }
0xf0: {  	s12 =	sadd.s32 $0x3E80, s12;
	s9 =	sadd.s32 $0x1F40, s9;
	s0 =	sadd.s32 s1, s0  }
0xf1: {  	[hbm4b:s0+s5] =	stream.linear.scatter [tilespmem:s26], [sflag:$0x4], $0xFA0, $0x38;
	[tilespmem:$0x1E900] =	vst v63  }
0xf2: {  	s2 =	sadd.s32 $0x3E80, s2;
	s1 =	sadd.s32 $0x1F40, s29;
	s0 =	sadd.s32 $0x1F40, s28  }
0xf3: {  	s0 =	simm.s32 $0x3  }
0xf4: {  	_ =	swait.ge [sflag:s0], $0xFA0  }
0xf5: {  	[sflag:s0] =	ssyncset.done $0x0  }
0xf6: {  	s29 =	simm.s32 $0x4;
	[sflag:s0] =	ssyncadd.s32 $0xFFFFF060  }
0xf7: {  	_ =	swait.ge [sflag:s29], $0xFA0  }
0xf8: {  	[sflag:s29] =	ssyncset.done $0x0  }
0xf9: {  	[sflag:s29] =	ssyncadd.s32 $0xFFFFF060  }
0xfa: {  	s2 =	simm.s32 $0x0;
	s30 =	simm.s32 $0x5;
	s0 =	rddreg [dreg:$0x1]  }
0xfb: {  	[tilespmem:s2], [sflag:$0x5] =	stream.linear.gather [hbm4b:s0+s2], $0x18700, $0x38;
	[tilespmem:$0x1E900] =	vst v63  }
0xfc: {  	_ =	swait.ge [sflag:s30], $0x18700  }
0xfd: {  	s31 =	rddreg [dreg:$0x10]  }
0xfe: {  	s18 =	rddreg [dreg:$0x1d]  }
0xff: {  	s21 =	rddreg [dreg:$0x1c]  }
0x100: {  	s19 =	rddreg [dreg:$0x1a]  }
0x101: {  	s0 =	rddreg [dreg:$0x19]  }
0x102: {  	s14 =	rddreg [dreg:$0x15]  }
0x103: {  	s16 =	rddreg [dreg:$0x18]  }
0x104: {  	s7 =	rddreg [dreg:$0x17]  }
0x105: {  	[sflag:s30] =	ssyncset.done $0x0;
	s4 =	rddreg [dreg:$0x16]  }
0x106: {  	s1 =	simm.s32 $0x18700;
	s12 =	rddreg [dreg:$0x13];
	[sflag:s30] =	ssyncadd.s32 $0xFFFE7900  }
0x107: {  	[tilespmem:s1], [sflag:$0x1] =	stream.linear.gather [hbm4b:s31+s2], $0x2100, $0x38;
	[tilespmem:$0x1E900] =	vst v63  }
0x108: {  	s17 =	simm.s32 $0x0;
	s1 =	rddreg [dreg:$0x1b]  }
.LBB2_16:
0x109: {  	[smem:$0x7F0] =	sst s0;
	s13 =	sand.u32 $0xFFFFFF80, s0  }
0x10a: {  	s20 =	smul.u32 $0x1F40, s17;
	s6 =	sshll.u32 s12, $0x1;
	s15 =	rddreg [dreg:$0x11]  }
0x10b: {  	s25 =	rddreg [dreg:$0x2];
	s26 =	simm.s32 $0x1A800;
	s9 =	smin.u32 s13, $0x619780  }
0x10c: {  	s24 =	sand.u32 $0xFFFFFF00, s6;
	s11 =	sshll.u32 s9, $0x1;
	s3 =	ssub.s32 $0x0, s9  }
0x10d: {  	s0 =	sadd.s32 s20, s15;
	s15 =	sand.u32 $0xFFFFFF80, s12;
	[dreg:$0xc] =	wrdreg s3  }
0x10e: {  	s6 =	ssub.s32 $0x0, s24;
	[smem:$0x7F1] =	sst s0;
	s22 =	sand.u32 $0xFFFF80, s0  }
0x10f: {  	s2 =	ssub.s32 $0x0, s11;
	[dreg:$0x9] =	wrdreg s6;
	s3 =	smin.u32 s22, $0x619780  }
0x110: {  	s23 =	ssub.s32 $0x0, s15;
	[dreg:$0xb] =	wrdreg s2;
	s3 =	sshrl.u32 s3, $0x2  }
0x111: {  	s29 =	simm.s32 $0x1;
	[dreg:$0xa] =	wrdreg s23;
	s3 =	sadd.s32 s25, s3  }
0x112: {  	[tilespmem:s26], [sflag:$0x2] =	stream.linear.gather [hbm4b:s3+s5], $0x2100, $0x38;
	[tilespmem:$0x1E900] =	vst v63  }
0x113: {  	_ =	swait.ge [sflag:s29], $0x2100  }
0x114: {  	p0 =	seq.s32 s17, $0x0;
	[sflag:s29] =	ssyncset.done $0x0  }
0x115: {  	s3 =	simm.s32 @!p0 $0x3;
	[sflag:s29] =	ssyncadd.s32 $0xFFFFDF00  }
0x116: {  	_ =	swait.ge @!p0 [sflag:s3], $0xFA0  }
0x117: {  	s30 =	rddreg [dreg:$0x9]  }
0x118: {  	s8 =	rddreg [dreg:$0xa];
	[sflag:s3] =	ssyncset.done @!p0 $0x0  }
0x119: {  	[sflag:s3] =	ssyncadd.s32 @!p0 $0xFFFFF060;
	s6 =	sadd.s32 s4, s30;
	s8 =	sadd.s32 s7, s8  }
0x11a: {  	s0 =	sadd.s32 $0xFFFFFFA0, s8;
	s10 =	sadd.s32 $0xFFFFFFF0, s8;
	s13 =	sadd.s32 $0xFFFFFFE0, s6  }
0x11b: {  	s23 =	sadd.s32 $0xFFFFFF40, s6;
	s25 =	sadd.s32 $0xFFFFFFB0, s8;
	s26 =	sadd.s32 $0xFFFFFF60, s6  }
0x11c: {  	s2 =	sadd.s32 $0xFFFFFFC0, s8;
	s22 =	sadd.s32 $0xFFFFFF80, s6;
	s30 =	sadd.s32 $0xFFFFFFD0, s8  }
0x11d: {  	s10 =	sand.u32 $0x60, s10;
	s13 =	sand.u32 $0xFFFFFF00, s13;
	s3 =	sand.u32 $0x50, s0  }
0x11e: {  	s23 =	sand.u32 $0xFFFFFF00, s23;
	s25 =	sand.u32 $0x60, s25;
	s26 =	sand.u32 $0xFFFFFF00, s26  }
0x11f: {  	s0 =	sadd.s32 $0xFFFFFFA0, s6;
	s10 =	sor.u32 s10, s13;
	s3 =	sor.u32 s3, s23  }
0x120: {  	s25 =	sor.u32 s25, s26;
	s13 =	sand.u32 $0x70, s2;
	s23 =	sand.u32 $0xFFFFFF00, s22;
	v0 =	vld [tilespmem:s10+$0x18700]  }
0x121: {  	s2 =	sadd.s32 $0xFFFFFFE0, s8;
	s26 =	sand.u32 $0xFFFFFF00, s0;
	s29 =	sadd.s32 $0x18700, s10;
	v1 =	vld [tilespmem:s3+$0x18700]  }
0x122: {  	s22 =	sadd.s32 $0xFFFFFFC0, s6;
	s13 =	sor.u32 s13, s23;
	s3 =	sadd.s32 $0x18700, s3;
	v2 =	vld [tilespmem:s29+$0x80]  }
0x123: {  	s10 =	sand.u32 $0x40, s30;
	s23 =	sand.u32 $0x50, s2;
	v14 =	vld [tilespmem:s3+$0x80];
	s29 =	sadd.s32 $0x18700, s25  }
0x124: {  	s10 =	sor.u32 s10, s26;
	s26 =	sand.u32 $0xFFFFFF00, s22;
	s30 =	sadd.s32 $0x18700, s13;
	v9 =	vld [tilespmem:s29+$0x80]  }
0x125: {  	s23 =	sor.u32 s23, s26;
	v10 =	vld [tilespmem:s30+$0x80];
	s0 =	sadd.s32 $0x18700, s10  }
0x126: {  	s3 =	rddreg [dreg:$0xd];
	v12 =	vld [tilespmem:s0+$0x80];
	s2 =	sadd.s32 $0x18700, s23  }
0x127: {  	s3 =	sadd.s32 s3, s20;
	v13 =	vld [tilespmem:s2+$0x80];
	[smem:$0x7F2] =	sst s20  }
0x128: {  	s22 =	sand.u32 $0x40, s3;
	v7 =	vld [tilespmem:s25+$0x18700]  }
0x129: {  	s26 =	simm.s32 $0x0;
	s25 =	sor.u32 $0x18700, s22;
	v8 =	vld [tilespmem:s13+$0x18700]  }
0x12a: {  	v15 =	vld.idx.msk [tilespmem:v0+s26+$0x0], $0xffff;
	v0 =	vmov s25  }
0x12b: {  	s8 =	sand.u32 $0x70, s8;
	s29 =	sand.u32 $0xFFFFFF00, s6;
	v11 =	vld [tilespmem:s10+$0x18700]  }
0x12c: {  	s8 =	sor.u32 s8, s29;
	v2 =	vld.idx.msk [tilespmem:v2+s26+$0x0], $0xffff  }
0x12d: {  	s6 =	sadd.s32 $0xFFFFFF20, s6;
	s30 =	sadd.s32 $0x18700, s8;
	v6 =	vld [tilespmem:s23+$0x18700]  }
0x12e: {  	s6 =	sand.u32 $0xFFFFFF00, s6;
	v5 =	vld [tilespmem:s30+$0x80]  }
0x12f: {  	s28 =	simm.s32 $0x1C940;
	v4 =	vld.idx.msk [tilespmem:v0+s6+$0x0 ss:$0x1], $0xffff;
	[smem:$0x7F3] =	sst s18  }
0x130: {  	s31 =	simm.s32 $0x0;
	s13 =	ssub.s32 s18, s11;
	v3 =	vld.idx.msk [tilespmem:v0+s6+$0x80 ss:$0x1], $0xffff;
	[dreg:$0x1f] =	wrdreg s1  }
0x131: {  	s23 =	ssub.s32 s1, s9;
	s11 =	ssub.s32 s16, s24;
	s24 =	ssub.s32 s14, s15;
	v15 =	vxor.u32 v15, v2;
	v2 =	vld [tilespmem:s8+$0x18700]  }
0x132: {  	s9 =	smov.u32 s4;
	s15 =	smov.u32 s7;
	s25 =	simm.s32 $0x0;
	[tilespmem:s28+$0x20] =	vst v15;
	v14 =	vld.idx.msk [tilespmem:v14+s26+$0x0], $0xffff  }
.LBB2_17:
0x133: {  	_ = 	snop  }
0x134: {  	v1 =	vld.idx.msk [tilespmem:v1+s25+$0x0], $0xffff  }
0x135: {  	v9 =	vld.idx.msk [tilespmem:v9+s25+$0x0], $0xffff  }
0x136: {  	v10 =	vld.idx.msk [tilespmem:v10+s25+$0x0], $0xffff  }
0x137: {  	s8 =	rddreg [dreg:$0xa];
	s15 =	sadd.s32 $0x80, s15;
	v12 =	vld.idx.msk [tilespmem:v12+s25+$0x0], $0xffff  }
0x138: {  	s6 =	rddreg [dreg:$0x9];
	s9 =	sadd.s32 $0x100, s9;
	s8 =	sadd.s32 s15, s8;
	v13 =	vld.idx.msk [tilespmem:v13+s25+$0x0], $0xffff  }
0x139: {  	s6 =	sadd.s32 s9, s6;
	s10 =	sadd.s32 $0xFFFFFFA0, s8;
	s26 =	sadd.s32 $0xFFFFFFF0, s8;
	v7 =	vld.idx.msk [tilespmem:v7+s25+$0x0], $0xffff  }
0x13a: {  	s29 =	sadd.s32 $0xFFFFFFE0, s6;
	s30 =	sadd.s32 $0xFFFFFF40, s6;
	s1 =	sadd.s32 $0xFFFFFFB0, s8;
	v8 =	vld.idx.msk [tilespmem:v8+s25+$0x0], $0xffff  }
0x13b: {  	s2 =	sadd.s32 $0xFFFFFF60, s6;
	s0 =	sadd.s32 $0xFFFFFF80, s6;
	s22 =	sadd.s32 $0xFFFFFFA0, s6;
	v6 =	vld.idx.msk [tilespmem:v6+s25+$0x0], $0xffff  }
0x13c: {  	s18 =	sadd.s32 $0xFFFFFFE0, s8;
	s26 =	sand.u32 $0x60, s26;
	s29 =	sand.u32 $0xFFFFFF00, s29;
	v5 =	vld.idx.msk [tilespmem:v5+s25+$0x0], $0xffff  }
0x13d: {  	s10 =	sand.u32 $0x50, s10;
	s1 =	sand.u32 $0x60, s1;
	s0 =	sand.u32 $0xFFFFFF00, s0;
	v4 =	vld.idx.msk [tilespmem:v4+s25+$0x0], $0xffff  }
0x13e: {  	s22 =	sand.u32 $0xFFFFFF00, s22;
	s18 =	sand.u32 $0x50, s18;
	s26 =	sor.u32 s26, s29;
	v2 =	vld.idx.msk [tilespmem:v2+s25+$0x0], $0xffff  }
0x13f: {  	s29 =	sadd.s32 $0xFFFFFFC0, s8;
	s20 =	sadd.s32 $0x18700, s26;
	v15 =	vld [tilespmem:s26+$0x18700];
	s26 =	sadd.s32 $0xFFFFFFD0, s8  }
0x140: {  	s29 =	sand.u32 $0x70, s29;
	v16 =	vld [tilespmem:s20+$0x80];
	s20 =	sand.u32 $0xFFFFFF00, s30;
	s30 =	sadd.s32 $0xFFFFFFC0, s6  }
0x141: {  	v3 =	vld.idx.msk [tilespmem:v3+s25+$0x0], $0xffff;
	s26 =	sand.u32 $0x40, s26;
	s30 =	sand.u32 $0xFFFFFF00, s30;
	s10 =	sor.u32 s10, s20;
	v1 =	vxor.u32 v1, v14  }
0x142: {  	v11 =	vld.idx.msk [tilespmem:v11+s25+$0x0], $0xffff;
	s0 =	sor.u32 s29, s0;
	s18 =	sor.u32 s18, s30;
	s29 =	sadd.s32 $0x18700, s10;
	[tilespmem:s28+$0xFFFFFFD0] =	vst v1;
	v6 =	vxor.u32 v6, v13  }
0x143: {  	s2 =	sand.u32 $0xFFFFFF00, s2;
	s20 =	sor.u32 s26, s22;
	v1 =	vxor.u32 v7, v9;
	s26 =	sadd.s32 $0x18700, s18;
	[tilespmem:s28+$0x10] =	vst v6;
	v14 =	vld [tilespmem:s29+$0x80]  }
0x144: {  	s1 =	sor.u32 s1, s2;
	s2 =	sand.u32 $0xFFFFFF00, s6;
	s8 =	sand.u32 $0x70, s8;
	[tilespmem:s28+$0xFFFFFFE0] =	vst v1;
	v13 =	vld [tilespmem:s26+$0x80]  }
0x145: {  	s2 =	sor.u32 s8, s2;
	v2 =	vxor.u32 v2, v5;
	v7 =	vld [tilespmem:s1+$0x18700]  }
0x146: {  	s6 =	sadd.s32 $0xFFFFFF20, s6;
	s30 =	sadd.s32 $0x18700, s2;
	v3 =	vxor.u32 v4, v3;
	[tilespmem:s28+$0x30] =	vst v2;
	v6 =	vld [tilespmem:s18+$0x18700]  }
0x147: {  	s6 =	sand.u32 $0xFFFFFF00, s6;
	[tilespmem:s28+$0xFFFFFFC0] =	vst v3;
	v5 =	vld [tilespmem:s30+$0x80]  }
0x148: {  	v1 =	vxor.u32 v8, v10;
	v4 =	vld.idx.msk [tilespmem:v0+s6+$0x0 ss:$0x1], $0xffff  }
0x149: {  	[tilespmem:s28+$0xFFFFFFF0] =	vst v1;
	v1 =	vxor.u32 v11, v12;
	v3 =	vld.idx.msk [tilespmem:v0+s6+$0x80 ss:$0x1], $0xffff  }
0x14a: {  	s25 =	simm.s32 $0x0;
	[tilespmem:s28+$0x0] =	vst v1;
	v1 =	vld [tilespmem:s10+$0x18700]  }
0x14b: {  	v8 =	vld.idx.msk [tilespmem:v15+s25+$0x0], $0xffff  }
0x14c: {  	s22 =	sadd.s32 $0x18700, s0;
	v11 =	vld.idx.msk [tilespmem:v16+s25+$0x0], $0xffff  }
0x14d: {  	s31 =	sadd.s32 $0x8, s31;
	s10 =	sadd.s32 $0x18700, s1;
	v10 =	vld [tilespmem:s22+$0x80]  }
0x14e: {  	p1 =	slt.u32 s31, $0xF0;
	s8 =	sadd.s32 $0x18700, s20;
	v9 =	vld [tilespmem:s10+$0x80]  }
.Ltmp8:
0x14f: {  	v12 =	vld [tilespmem:s8+$0x80];
	(pc) =	sbr.rel @p1 .LBB2_17-.Ltmp8, $4  }
0x150: {  	v14 =	vld.idx.msk [tilespmem:v14+s25+$0x0], $0xffff  }
0x151: {  	v2 =	vxor.u32 v8, v11;
	v8 =	vld [tilespmem:s0+$0x18700]  }
0x152: {  	s28 =	sadd.s32 $0x80, s28;
	v11 =	vld [tilespmem:s20+$0x18700]  }
0x153: {  	[tilespmem:s28+$0x20] =	vst v2;
	v2 =	vld [tilespmem:s2+$0x18700]  }
0x154: {  	_ =	sdelay $0x3  }
0x155: {  	v0 =	vld.idx.msk [tilespmem:v9+s25+$0x0], $0xffff  }
0x156: {  	v55 =	vld.idx.msk [tilespmem:v10+s25+$0x0], $0xffff  }
0x157: {  	v56 =	vld.idx.msk [tilespmem:v12+s25+$0x0], $0xffff  }
0x158: {  	v57 =	vld.idx.msk [tilespmem:v13+s25+$0x0], $0xffff  }
0x159: {  	v1 =	vld.idx.msk [tilespmem:v1+s25+$0x0], $0xffff  }
0x15a: {  	v7 =	vld.idx.msk [tilespmem:v7+s25+$0x0], $0xffff  }
0x15b: {  	v6 =	vld.idx.msk [tilespmem:v6+s25+$0x0], $0xffff  }
0x15c: {  	v5 =	vld.idx.msk [tilespmem:v5+s25+$0x0], $0xffff  }
0x15d: {  	v4 =	vld.idx.msk [tilespmem:v4+s25+$0x0], $0xffff  }
0x15e: {  	v3 =	vld.idx.msk [tilespmem:v3+s25+$0x0], $0xffff  }
0x15f: {  	v8 =	vld.idx.msk [tilespmem:v8+s25+$0x0], $0xffff  }
0x160: {  	v11 =	vld.idx.msk [tilespmem:v11+s25+$0x0], $0xffff;
	v1 =	vxor.u32 v1, v14  }
0x161: {  	v58 =	vld.idx.msk [tilespmem:v2+s25+$0x0], $0xffff;
	v0 =	vxor.u32 v7, v0;
	[tilespmem:s28+$0xFFFFFFD0] =	vst v1  }
0x162: {  	v61 =	vxor.u32 v6, v57;
	[tilespmem:s28+$0xFFFFFFE0] =	vst v0  }
0x163: {  	v62 =	vxor.u32 v4, v3;
	[tilespmem:s28+$0x10] =	vst v61  }
0x164: {  	[tilespmem:s28+$0xFFFFFFC0] =	vst v62;
	v59 =	vxor.u32 v8, v55  }
0x165: {  	[tilespmem:s28+$0xFFFFFFF0] =	vst v59;
	v60 =	vxor.u32 v11, v56  }
0x166: {  	[tilespmem:s28+$0x0] =	vst v60;
	v63 =	vxor.u32 v58, v5  }
0x167: {  	[tilespmem:s28+$0x30] =	vst v63  }
.LBB2_19:
0x168: {  	s0 =	sand.u32 $0x70, s24;
	s1 =	sand.u32 $0xFFFFFF00, s11  }
0x169: {  	s0 =	sor.u32 s0, s1  }
0x16a: {  	s1 =	sadd.s32 $0x18700, s0;
	v0 =	vld [tilespmem:s0+$0x18700]  }
0x16b: {  	v1 =	vld [tilespmem:s1+$0x80];
	_ =	sdelay $0x6  }
0x16c: {  	v0 =	vld.idx.msk [tilespmem:v0+s5+$0x0], $0xffff  }
0x16d: {  	v1 =	vld.idx.msk [tilespmem:v1+s5+$0x0], $0xffff  }
0x16e: {  	p1 =	sne.s32 s25, $0x40  }
.Ltmp9:
0x16f: {  	_ = 	snop;
	(pc) =	sbr.rel @p1 .LBB2_19-.Ltmp9, $3  }
0x170: {  	_ =	sdelay $0x1  }
0x171: {  	s31 =	sshra.s32 s25, $0x2;
	v0 =	vxor.u32 v0, v1  }
0x172: {  	s11 =	sadd.s32 $0x20, s11;
	s24 =	sadd.s32 $0x10, s24;
	s25 =	sadd.s32 $0x40, s25;
	[tilespmem:s31+$0x1D880] =	vst v0  }
0x173: {  	p1 =	sne.s32 s17, $0x18  }
.Ltmp10:
0x174: {  	_ = 	snop;
	(pc) =	sbr.rel @p1 .LBB2_22-.Ltmp10, $4  }
0x175: {  	_ = 	snop  }
0x176: {  	s0 =	sshrl.u32 s3, $0x3;
	s1 =	rddreg [dreg:$0xf]  }
0x177: {  	s31 =	simm.s32 $0x1C900;
	s0 =	sadd.s32 s1, s0  }
0x178: {  	[hbm4b:s0+s5] =	stream.linear.scatter [tilespmem:s31], [sflag:$0x3], $0xFA0, $0x38;
	[tilespmem:$0x1E900] =	vst v63  }
.Ltmp11:
0x179: {  	(pc) =	sbr.rel .LBB2_23-.Ltmp11, $4  }
0x17a: {  	s0 =	simm.s32 $0x2  }
0x17b: {  	_ =	swait.ge [sflag:s0], $0x2100  }
0x17c: {  	[sflag:s0] =	ssyncset.done $0x0  }
0x17d: {  	s29 =	sld [smem:$0x7F1];
	[sflag:s0] =	ssyncadd.s32 $0xFFFFDF00  }
.LBB2_22:
0x17e: {  	s1 =	sld [smem:$0x7F2];
	_ =	sdelay $0x1  }
0x17f: {  	s0 =	rddreg [dreg:$0x12]  }
0x180: {  	s0 =	sadd.s32 s1, s0  }
0x181: {  	s0 =	sand.u32 $0xFFFF80, s0  }
0x182: {  	s0 =	smin.u32 s0, $0x619780  }
0x183: {  	s28 =	rddreg [dreg:$0x2];
	s30 =	simm.s32 $0x18700;
	s0 =	sshrl.u32 s0, $0x2  }
.Ltmp12:
0x184: {  	s31 =	simm.s32 $0x2;
	s0 =	sadd.s32 s28, s0;
	(pc) =	sbr.rel @p0 .LBB2_24-.Ltmp12, $4  }
0x185: {  	[tilespmem:s30], [sflag:$0x1] =	stream.linear.gather [hbm4b:s0+s5], $0x2100, $0x38;
	[tilespmem:$0x1E900] =	vst v63  }
0x186: {  	_ =	swait.ge [sflag:s31], $0x2100  }
0x187: {  	[sflag:s31] =	ssyncset.done $0x0  }
0x188: {  	s29 =	sld [smem:$0x7F1];
	[sflag:s31] =	ssyncadd.s32 $0xFFFFDF00  }
.LBB2_23:
0x189: {  	s0 =	simm.s32 $0x4  }
0x18a: {  	_ =	swait.ge [sflag:s0], $0xFA0  }
0x18b: {  	[sflag:s0] =	ssyncset.done $0x0  }
0x18c: {  	[sflag:s0] =	ssyncadd.s32 $0xFFFFF060  }
.LBB2_24:
0x18d: {  	s1 =	rddreg [dreg:$0xc]  }
0x18e: {  	s0 =	rddreg [dreg:$0xb];
	s1 =	sadd.s32 s21, s1  }
0x18f: {  	s2 =	sadd.s32 s19, s0;
	s26 =	sadd.s32 $0xFFFFFFF0, s1  }
0x190: {  	s3 =	sadd.s32 $0xFFFFFFE0, s2;
	s6 =	sadd.s32 $0xFFFFFFB0, s1;
	s8 =	sadd.s32 $0xFFFFFF60, s2  }
0x191: {  	s9 =	sadd.s32 $0xFFFFFFC0, s1;
	s10 =	sadd.s32 $0xFFFFFF80, s2;
	s11 =	sadd.s32 $0xFFFFFFD0, s1  }
0x192: {  	s15 =	sadd.s32 $0xFFFFFFA0, s2;
	s0 =	sand.u32 $0x40, s26;
	s3 =	sand.u32 $0xFFFFFF00, s3  }
0x193: {  	s6 =	sand.u32 $0x40, s6;
	s8 =	sand.u32 $0xFFFFFF00, s8;
	s0 =	sor.u32 s0, s3  }
0x194: {  	s9 =	sand.u32 $0x50, s9;
	s10 =	sand.u32 $0xFFFFFF00, s10;
	s6 =	sor.u32 s6, s8;
	v0 =	vld [tilespmem:s0+$0x1A800]  }
0x195: {  	s11 =	sand.u32 $0x60, s11;
	s15 =	sand.u32 $0xFFFFFF00, s15;
	s9 =	sor.u32 s9, s10;
	v7 =	vld [tilespmem:s6+$0x1A800]  }
0x196: {  	s11 =	sor.u32 s11, s15;
	v9 =	vld [tilespmem:s9+$0x1A800]  }
0x197: {  	s18 =	sadd.s32 $0xFFFFFFE0, s1;
	s3 =	sadd.s32 $0x1A800, s0;
	v8 =	vld [tilespmem:s11+$0x1A800]  }
0x198: {  	s31 =	sand.u32 $0x70, s18;
	s18 =	sadd.s32 $0x1A800, s6;
	v2 =	vld [tilespmem:s3+$0x80]  }
0x199: {  	s28 =	sadd.s32 $0xFFFFFFA0, s1;
	s30 =	sadd.s32 $0xFFFFFF40, s2;
	s24 =	sadd.s32 $0x1A800, s9;
	v10 =	vld [tilespmem:s18+$0x80]  }
0x19a: {  	s0 =	sand.u32 $0x70, s28;
	s25 =	sadd.s32 $0x1A800, s11;
	s3 =	sand.u32 $0xFFFFFF00, s30;
	v11 =	vld [tilespmem:s24+$0x80]  }
0x19b: {  	v13 =	vld [tilespmem:s25+$0x80];
	s3 =	sor.u32 s0, s3  }
0x19c: {  	s20 =	sadd.s32 $0xFFFFFFC0, s2;
	s26 =	sand.u32 $0x60, s29;
	v1 =	vld [tilespmem:s3+$0x1A800];
	s3 =	sadd.s32 $0x1A800, s3  }
0x19d: {  	s22 =	sand.u32 $0xFFFFFF00, s20;
	s30 =	sor.u32 $0x1A800, s26;
	s0 =	simm.s32 $0x0;
	v15 =	vld [tilespmem:s3+$0x80]  }
0x19e: {  	s3 =	sor.u32 s31, s22;
	v12 =	vld.idx.msk [tilespmem:v0+s0+$0x0], $0xffff;
	v0 =	vmov s30  }
0x19f: {  	s1 =	sand.u32 $0x50, s1;
	s31 =	sand.u32 $0xFFFFFF00, s2;
	v6 =	vld [tilespmem:s3+$0x1A800]  }
0x1a0: {  	s28 =	sadd.s32 $0x1A800, s3;
	s1 =	sor.u32 s1, s31;
	v2 =	vld.idx.msk [tilespmem:v2+s0+$0x0], $0xffff  }
0x1a1: {  	s2 =	sadd.s32 $0xFFFFFF20, s2;
	v14 =	vld [tilespmem:s28+$0x80];
	s6 =	sadd.s32 $0x1A800, s1  }
0x1a2: {  	s2 =	sand.u32 $0xFFFFFF00, s2;
	v5 =	vld [tilespmem:s6+$0x80]  }
0x1a3: {  	v4 =	vld.idx.msk [tilespmem:v0+s2+$0x0 ss:$0x1], $0xffff  }
0x1a4: {  	v3 =	vld.idx.msk [tilespmem:v0+s2+$0x80 ss:$0x1], $0xffff  }
0x1a5: {  	s3 =	simm.s32 $0x1D940;
	v12 =	vxor.u32 v12, v2;
	v2 =	vld [tilespmem:s1+$0x1A800]  }
0x1a6: {  	s15 =	smov.u32 s21;
	s11 =	simm.s32 $0x0;
	s9 =	smov.u32 s19;
	[tilespmem:s3+$0x20] =	vst v12;
	v12 =	vld.idx.msk [tilespmem:v15+s0+$0x0], $0xffff  }
.LBB2_25:
0x1a7: {  	v1 =	vld.idx.msk [tilespmem:v1+s0+$0x0], $0xffff  }
0x1a8: {  	v10 =	vld.idx.msk [tilespmem:v10+s0+$0x0], $0xffff  }
0x1a9: {  	v11 =	vld.idx.msk [tilespmem:v11+s0+$0x0], $0xffff  }
0x1aa: {  	s1 =	rddreg [dreg:$0xb];
	v13 =	vld.idx.msk [tilespmem:v13+s0+$0x0], $0xffff  }
0x1ab: {  	s2 =	rddreg [dreg:$0xc];
	s9 =	sadd.s32 $0x100, s9;
	s15 =	sadd.s32 $0x80, s15;
	v14 =	vld.idx.msk [tilespmem:v14+s0+$0x0], $0xffff  }
0x1ac: {  	s6 =	sadd.s32 s9, s1;
	s1 =	sadd.s32 s15, s2;
	v7 =	vld.idx.msk [tilespmem:v7+s0+$0x0], $0xffff  }
0x1ad: {  	s2 =	sadd.s32 $0xFFFFFFA0, s1;
	s8 =	sadd.s32 $0xFFFFFFF0, s1;
	s10 =	sadd.s32 $0xFFFFFFE0, s6;
	v9 =	vld.idx.msk [tilespmem:v9+s0+$0x0], $0xffff  }
0x1ae: {  	s18 =	sadd.s32 $0xFFFFFF40, s6;
	s20 =	sadd.s32 $0xFFFFFFB0, s1;
	s22 =	sadd.s32 $0xFFFFFF60, s6;
	v8 =	vld.idx.msk [tilespmem:v8+s0+$0x0], $0xffff  }
0x1af: {  	s30 =	sadd.s32 $0xFFFFFFD0, s1;
	s26 =	sadd.s32 $0xFFFFFFA0, s6;
	s28 =	sadd.s32 $0xFFFFFFE0, s1;
	v6 =	vld.idx.msk [tilespmem:v6+s0+$0x0], $0xffff  }
0x1b0: {  	s31 =	sadd.s32 $0xFFFFFFC0, s6;
	s8 =	sand.u32 $0x40, s8;
	s10 =	sand.u32 $0xFFFFFF00, s10;
	v5 =	vld.idx.msk [tilespmem:v5+s0+$0x0], $0xffff  }
0x1b1: {  	s2 =	sand.u32 $0x70, s2;
	s18 =	sand.u32 $0xFFFFFF00, s18;
	s20 =	sand.u32 $0x40, s20;
	v4 =	vld.idx.msk [tilespmem:v4+s0+$0x0], $0xffff  }
0x1b2: {  	s22 =	sand.u32 $0xFFFFFF00, s22;
	s26 =	sand.u32 $0xFFFFFF00, s26;
	s8 =	sor.u32 s8, s10;
	v2 =	vld.idx.msk [tilespmem:v2+s0+$0x0], $0xffff  }
0x1b3: {  	s28 =	sand.u32 $0x70, s28;
	s2 =	sor.u32 s2, s18;
	s25 =	sadd.s32 $0x1A800, s8;
	v15 =	vld [tilespmem:s8+$0x1A800];
	v1 =	vxor.u32 v1, v12  }
0x1b4: {  	s18 =	sor.u32 s20, s22;
	s8 =	sand.u32 $0x60, s30;
	v16 =	vld [tilespmem:s25+$0x80];
	[tilespmem:s3+$0xFFFFFFD0] =	vst v1;
	s25 =	sand.u32 $0xFFFFFF00, s31;
	v1 =	vxor.u32 v7, v10  }
0x1b5: {  	v3 =	vld.idx.msk [tilespmem:v3+s0+$0x0], $0xffff;
	s8 =	sor.u32 s8, s26;
	s26 =	sor.u32 s28, s25;
	s28 =	sadd.s32 $0x1A800, s18;
	v6 =	vxor.u32 v6, v14;
	[tilespmem:s3+$0xFFFFFFE0] =	vst v1  }
0x1b6: {  	s25 =	sadd.s32 $0x1A800, s26;
	[tilespmem:s3+$0x10] =	vst v6;
	v10 =	vld [tilespmem:s28+$0x80]  }
0x1b7: {  	s10 =	sadd.s32 $0xFFFFFFC0, s1;
	s1 =	sand.u32 $0x50, s1;
	s22 =	sand.u32 $0xFFFFFF00, s6;
	v14 =	vld [tilespmem:s25+$0x80]  }
0x1b8: {  	s1 =	sor.u32 s1, s22;
	v2 =	vxor.u32 v2, v5;
	v7 =	vld [tilespmem:s18+$0x1A800]  }
0x1b9: {  	s31 =	sadd.s32 $0x1A800, s1;
	v1 =	vxor.u32 v9, v11;
	[tilespmem:s3+$0x30] =	vst v2;
	v6 =	vld [tilespmem:s26+$0x1A800]  }
0x1ba: {  	[tilespmem:s3+$0xFFFFFFF0] =	vst v1;
	v1 =	vxor.u32 v8, v13;
	v5 =	vld [tilespmem:s31+$0x80]  }
0x1bb: {  	[tilespmem:s3+$0x0] =	vst v1;
	v1 =	vld [tilespmem:s2+$0x1A800]  }
0x1bc: {  	s2 =	sadd.s32 $0x1A800, s2;
	v8 =	vld.idx.msk [tilespmem:v15+s0+$0x0], $0xffff  }
0x1bd: {  	s24 =	sadd.s32 $0xFFFFFF80, s6;
	s6 =	sadd.s32 $0xFFFFFF20, s6;
	v3 =	vxor.u32 v4, v3;
	v12 =	vld [tilespmem:s2+$0x80]  }
0x1be: {  	s24 =	sand.u32 $0xFFFFFF00, s24;
	s10 =	sand.u32 $0x50, s10;
	s6 =	sand.u32 $0xFFFFFF00, s6;
	[tilespmem:s3+$0xFFFFFFC0] =	vst v3;
	v9 =	vld.idx.msk [tilespmem:v16+s0+$0x0], $0xffff  }
0x1bf: {  	s10 =	sor.u32 s10, s24;
	v4 =	vld.idx.msk [tilespmem:v0+s6+$0x0 ss:$0x1], $0xffff  }
0x1c0: {  	s11 =	sadd.s32 $0x8, s11;
	s24 =	sadd.s32 $0x1A800, s10;
	v3 =	vld.idx.msk [tilespmem:v0+s6+$0x80 ss:$0x1], $0xffff  }
0x1c1: {  	p0 =	slt.u32 s11, $0xF0;
	s30 =	sadd.s32 $0x1A800, s8;
	v11 =	vld [tilespmem:s24+$0x80]  }
.Ltmp13:
0x1c2: {  	v13 =	vld [tilespmem:s30+$0x80];
	(pc) =	sbr.rel @p0 .LBB2_25-.Ltmp13, $4  }
0x1c3: {  	v2 =	vxor.u32 v8, v9;
	v9 =	vld [tilespmem:s10+$0x1A800]  }
0x1c4: {  	s3 =	sadd.s32 $0x80, s3;
	v8 =	vld [tilespmem:s8+$0x1A800]  }
0x1c5: {  	[tilespmem:s3+$0x20] =	vst v2;
	v2 =	vld [tilespmem:s1+$0x1A800]  }
0x1c6: {  	v12 =	vld.idx.msk [tilespmem:v12+s0+$0x0], $0xffff  }
0x1c7: {  	_ =	sdelay $0x3  }
0x1c8: {  	v0 =	vld.idx.msk [tilespmem:v10+s0+$0x0], $0xffff  }
0x1c9: {  	v55 =	vld.idx.msk [tilespmem:v11+s0+$0x0], $0xffff  }
0x1ca: {  	v56 =	vld.idx.msk [tilespmem:v13+s0+$0x0], $0xffff  }
0x1cb: {  	v57 =	vld.idx.msk [tilespmem:v14+s0+$0x0], $0xffff  }
0x1cc: {  	v1 =	vld.idx.msk [tilespmem:v1+s0+$0x0], $0xffff  }
0x1cd: {  	v7 =	vld.idx.msk [tilespmem:v7+s0+$0x0], $0xffff  }
0x1ce: {  	v6 =	vld.idx.msk [tilespmem:v6+s0+$0x0], $0xffff  }
0x1cf: {  	v5 =	vld.idx.msk [tilespmem:v5+s0+$0x0], $0xffff  }
0x1d0: {  	v4 =	vld.idx.msk [tilespmem:v4+s0+$0x0], $0xffff  }
0x1d1: {  	v3 =	vld.idx.msk [tilespmem:v3+s0+$0x0], $0xffff  }
0x1d2: {  	v9 =	vld.idx.msk [tilespmem:v9+s0+$0x0], $0xffff  }
0x1d3: {  	v8 =	vld.idx.msk [tilespmem:v8+s0+$0x0], $0xffff;
	v1 =	vxor.u32 v1, v12  }
0x1d4: {  	v58 =	vld.idx.msk [tilespmem:v2+s0+$0x0], $0xffff;
	v0 =	vxor.u32 v7, v0;
	[tilespmem:s3+$0xFFFFFFD0] =	vst v1  }
0x1d5: {  	v61 =	vxor.u32 v6, v57;
	[tilespmem:s3+$0xFFFFFFE0] =	vst v0  }
0x1d6: {  	v62 =	vxor.u32 v4, v3;
	[tilespmem:s3+$0x10] =	vst v61  }
0x1d7: {  	v59 =	vxor.u32 v9, v55;
	[tilespmem:s3+$0xFFFFFFC0] =	vst v62  }
0x1d8: {  	[tilespmem:s3+$0xFFFFFFF0] =	vst v59;
	v60 =	vxor.u32 v8, v56  }
0x1d9: {  	[tilespmem:s3+$0x0] =	vst v60;
	v63 =	vxor.u32 v58, v5  }
0x1da: {  	[tilespmem:s3+$0x30] =	vst v63  }
.LBB2_27:
0x1db: {  	s1 =	sand.u32 $0x70, s23;
	s2 =	sand.u32 $0xFFFFFF00, s13  }
0x1dc: {  	s1 =	sor.u32 s1, s2  }
0x1dd: {  	s2 =	sadd.s32 $0x1A800, s1;
	v0 =	vld [tilespmem:s1+$0x1A800]  }
0x1de: {  	v1 =	vld [tilespmem:s2+$0x80];
	_ =	sdelay $0x6  }
0x1df: {  	v0 =	vld.idx.msk [tilespmem:v0+s5+$0x0], $0xffff  }
0x1e0: {  	v1 =	vld.idx.msk [tilespmem:v1+s5+$0x0], $0xffff  }
0x1e1: {  	p0 =	sne.s32 s0, $0x40  }
.Ltmp14:
0x1e2: {  	_ = 	snop;
	(pc) =	sbr.rel @p0 .LBB2_27-.Ltmp14, $3  }
0x1e3: {  	_ =	sdelay $0x1  }
0x1e4: {  	s31 =	sshra.s32 s0, $0x2;
	v0 =	vxor.u32 v0, v1  }
0x1e5: {  	s13 =	sadd.s32 $0x20, s13;
	s23 =	sadd.s32 $0x10, s23;
	s0 =	sadd.s32 $0x40, s0;
	[tilespmem:s31+$0x1E880] =	vst v0  }
0x1e6: {  	s0 =	sshrl.u32 s29, $0x3;
	s1 =	rddreg [dreg:$0xf]  }
0x1e7: {  	s29 =	simm.s32 $0x1D900;
	s17 =	sadd.s32 $0x1, s17;
	s12 =	sadd.s32 $0x1F40, s12  }
0x1e8: {  	s4 =	sadd.s32 $0x3E80, s4;
	s7 =	sadd.s32 $0x1F40, s7;
	p0 =	sne.s32 s17, $0x19  }
.Ltmp15:
0x1e9: {  	s16 =	sadd.s32 $0x3E80, s16;
	s30 =	sld [smem:$0x7F0];
	(pc) =	sbr.rel @p0 .LBB2_16-.Ltmp15, $4  }
0x1ea: {  	s14 =	sadd.s32 $0x1F40, s14;
	s19 =	sadd.s32 $0x3E80, s19;
	s18 =	sld [smem:$0x7F3]  }
0x1eb: {  	s21 =	sadd.s32 $0x1F40, s21;
	s31 =	rddreg [dreg:$0x1f];
	s0 =	sadd.s32 s1, s0  }
0x1ec: {  	[hbm4b:s0+s5] =	stream.linear.scatter [tilespmem:s29], [sflag:$0x4], $0xFA0, $0x38;
	[tilespmem:$0x1E900] =	vst v63  }
0x1ed: {  	s1 =	sadd.s32 $0x1F40, s31;
	s0 =	sadd.s32 $0x1F40, s30;
	s18 =	sadd.s32 $0x3E80, s18  }
0x1ee: {  	s0 =	simm.s32 $0x3  }
0x1ef: {  	_ =	swait.ge [sflag:s0], $0xFA0  }
0x1f0: {  	[sflag:s0] =	ssyncset.done $0x0  }
0x1f1: {  	s1 =	simm.s32 $0x4;
	[sflag:s0] =	ssyncadd.s32 $0xFFFFF060  }
0x1f2: {  	_ =	swait.ge [sflag:s1], $0xFA0  }
0x1f3: {  	s2 =	rddreg [dreg:$0x1e]  }
0x1f4: {  	s31 =	rddreg [dreg:$0x14];
	s2 =	sadd.s32 $0x1, s2  }
0x1f5: {  	p0 =	sne.s32 s2, s31  }
.Ltmp16:
0x1f6: {  	_ = 	snop;
	(pc) =	sbr.rel @p0 .LBB2_1-.Ltmp16, $3  }
0x1f7: {  	_ =	sdelay $0x1  }
0x1f8: {  	[sflag:s1] =	ssyncset.done $0x0  }
0x1f9: {  	[sflag:s1] =	ssyncadd.s32 $0xFFFFF060  }
0x1fa: {  	_ =	sfence.sel $0x180000  }
0x1fb: {  	[bflag:$0x0] =	sbarrier.arrive $0xFFFF  }
0x1fc: {  	_ =	strace $0x90000047  }
0x1fd: {  	s0 =	stileid.u32;
	[bflag:$0x2] =	sbarrier.arrive $0xFFFF  }
0x1fe: {  	p0 =	sne.s32 s0, $0x0;
	s0 =	rddreg [dreg:$0x4]  }
0x1ff: {  	s0 =	sadd.s32 @!p0 $0x100000, s0  }
0x200: {  	[sflag:s0] =	ssyncadd.tile.s32 @!p0 $0x1;
	_ =	shalt  }
.Lfunc_end2:
_tile_overlayer_lowered:
.L_overlay_start_2:
0x201: {  	(tag) =	ssettag $0x2  }
0x202: {  	s0 =	rddreg [dreg:$0x0];
	s2 =	stileid.u32  }
0x203: {  	s1 =	rddreg [dreg:$0x1];
	p0 =	sne.s32 s2, $0x0  }
0x204: {  	s3 =	rddreg [dreg:$0x2];
	[bflag:$0x3] =	sbarrier.arrive $0xFFFF;
	s2 =	simm.s32 @!p0 $0x1C05  }
0x205: {  	[timem:s3], [sflag:s2] =	dma.local @!p0 [hbm:s0], s1  }
0x206: {  	s0 =	simm.s32 @!p0 $0x5  }
0x207: {  	_ =	swait.ge @!p0 [sflag:s0], s1  }
0x208: {  	s1 =	ssub.s32 @!p0 $0x0, s1;
	[sflag:s0] =	ssyncset.done @!p0 $0x0  }
0x209: {  	[sflag:s0] =	ssyncadd.s32 @!p0 s1  }
0x20a: {  	[bflag:$0x3] =	sbarrier.arrive $0xFFFF  }
0x20b: {  	_ =	shalt  }

</sc_bundles>
